<compile_context>
chip_gen: v7x
topology: tpu7x:2x2x1
jax: 0.10.2.dev20260603
libtpu: 0.0.44.dev20260713+nightly
codegen_flags: <defaults>
</compile_context>

<pallas_src>
import jax
import jax.numpy as jnp
from jax import lax
from jax.experimental import pallas as pl
from jax.experimental.pallas import tpu as pltpu
from jax.experimental.pallas import tpu_sc as plsc

_DEPTH = 1000
_OUT = 64
_BATCH = 16384
_NC = 1
_NS = 16
_NW = _NC * _NS
_BPW = _BATCH // _NW
_CHUNK = 128
_NCH = _BPW // _CHUNK
_IDX_ROWS = _BATCH // _CHUNK
_VREG = 16
_NV = _OUT // _VREG


def _gather_body(t_hbm, b_hbm, idx_hbm, out_hbm,
                 idx_v, rows_v, bias_v, gsems, osems):
    wid = lax.axis_index("s") * _NC + lax.axis_index("c")
    pltpu.sync_copy(b_hbm, bias_v)
    pltpu.sync_copy(idx_hbm.at[pl.ds(wid * _NCH, _NCH)], idx_v)
    bias_regs = [bias_v[pl.ds(k * _VREG, _VREG)] for k in range(_NV)]

    def _fill_bias(i, _):
        for k in range(_NV):
            rows_v[i, pl.ds(k * _VREG, _VREG)] = bias_regs[k]
        return 0

    gathers = []
    for j in range(_NCH):
        lax.fori_loop(j * _CHUNK, (j + 1) * _CHUNK, _fill_bias, 0)
        gathers.append(
            pltpu.async_copy(t_hbm.at[idx_v.at[j]],
                             rows_v.at[pl.ds(j * _CHUNK, _CHUNK)], gsems.at[j],
                             add=True))
    writes = []
    for j in range(_NCH):
        gathers[j].wait()
        writes.append(
            pltpu.async_copy(rows_v.at[pl.ds(j * _CHUNK, _CHUNK)],
                             out_hbm.at[pl.ds(wid * _BPW + j * _CHUNK, _CHUNK)],
                             osems.at[j]))
    for cp in writes:
        cp.wait()


def kernel(input_batch, W, b):
    idx = jnp.reshape(input_batch.astype(jnp.int32), (_IDX_ROWS, _CHUNK))
    table = W.T

    mesh = plsc.VectorSubcoreMesh(core_axis_name="c", subcore_axis_name="s",
                                  num_cores=_NC, num_subcores=_NS)
    run = pl.kernel(
        _gather_body,
        out_type=jax.ShapeDtypeStruct((_BATCH, _OUT), jnp.float32),
        mesh=mesh,
        scratch_types=[
            pltpu.VMEM((_NCH, _CHUNK), jnp.int32),
            pltpu.VMEM((_BPW, _OUT), jnp.float32),
            pltpu.VMEM((_OUT,), jnp.float32),
            pltpu.SemaphoreType.DMA((_NCH,)),
            pltpu.SemaphoreType.DMA((_NCH,)),
        ],
        compiler_params=pltpu.CompilerParams(
            use_tc_tiling_on_sc=False,
            disable_bounds_checks=True,
            disable_semaphore_checks=True,
        ),
    )
    out = run(table, b, idx)
    return out[:, None, :]

# --- scband reference (transcript-rebuilt; emitter-appended) ---
"""Pipeline reference for scband-agent-one-hot-encoder-21354577396017 (READ-ONLY COPY).

The authoritative reference and input builder live on the scoring server;
editing this copy changes nothing except your own understanding.
"""

import jax, jax.numpy as jnp
import numpy as np

DEPTH = 1000
OUT = 64
BATCH = 16384


def setup_inputs(seed: int = 0) -> dict:
    key = jax.random.key(seed)
    k1, k2, k3 = jax.random.split(key, 3)
    # forward input: integer class ids in [0, DEPTH), shape [B, 1]
    input_batch = jax.random.randint(k1, (BATCH, 1), 0, DEPTH, dtype=jnp.int64 if jax.config.jax_enable_x64 else jnp.int32)
    # nn.Linear(depth -> OUT): weight [OUT, DEPTH], bias [OUT]
    bound = 1.0 / np.sqrt(DEPTH)
    W = jax.random.uniform(k2, (OUT, DEPTH), minval=-bound, maxval=bound, dtype=jnp.float32)
    b = jax.random.uniform(k3, (OUT,), minval=-bound, maxval=bound, dtype=jnp.float32)
    return {"input_batch": input_batch, "W": W, "b": b}


def reference(input_batch, W, b):
    # stage_one_hot = F.one_hot(input_batch[key].squeeze(-1).long(), num_classes=depth).float()
    idx = jnp.squeeze(input_batch, axis=-1)
    stage_one_hot = jax.nn.one_hot(idx, DEPTH, dtype=jnp.float32)
    # mlp_output = Linear(stage_one_hot) ; one-hot @ W^T is an embedding-row gather + bias
    mlp_output = stage_one_hot @ W.T + b
    # unsqueeze(-2)
    return mlp_output[..., None, :]

if __name__ == "__main__":
    import jax
    _d = setup_inputs()
    print(jax.jit(kernel)(*tuple(_d.values())))

</pallas_src>

<mosaic_0001>
#map = affine_map<(d0, d1) -> (0, 0)>
#map1 = affine_map<(d0, d1) -> (0)>
module attributes {stable_mosaic.version = 14 : i64} {
  func.func @_gather_body(%arg0: i32, %arg1: i32, %arg2: memref<1000x64xf32, #tpu.memory_space<hbm>>, %arg3: memref<64xf32, #tpu.memory_space<hbm>>, %arg4: memref<128x128xi32, #tpu.memory_space<hbm>>, %arg5: memref<16384x64xf32, #tpu.memory_space<hbm>>, %arg6: memref<8x128xi32, #tpu.memory_space<vmem>>, %arg7: memref<1024x64xf32, #tpu.memory_space<vmem>>, %arg8: memref<64xf32, #tpu.memory_space<vmem>>, %arg9: memref<8x!tpu.dma_semaphore, #tpu.memory_space<semaphore_mem>>, %arg10: memref<8x!tpu.dma_semaphore, #tpu.memory_space<semaphore_mem>>) attributes {dimension_semantics = [#tpu.dimension_semantics<core_parallel>, #tpu.dimension_semantics<subcore_parallel>], iteration_bounds = array<i64: 1, 16>, scalar_prefetch = 0 : i64, scratch_operands = 5 : i64, tpu.core_type = #tpu.core_type<sc_vector_subcore>, window_params = [{transform_indices = #map}, {transform_indices = #map1}, {transform_indices = #map}, {transform_indices = #map}]} {
    %mul3A = arith.constant 1 : i32
    %mul3A_0 = arith.muli %arg1, %mul3A : i32
    %add3A = arith.addi %mul3A_0, %arg0 : i32
    "tpu.region"() ({
      %run_scoped3A = tpu.sem_alloc : memref<!tpu.dma_semaphore, #tpu.memory_space<semaphore_mem>>
      tpu.enqueue_dma source(%arg3 : memref<64xf32, #tpu.memory_space<hbm>>) target(%arg8 : memref<64xf32, #tpu.memory_space<vmem>>) target_semaphore(%run_scoped3A : memref<!tpu.dma_semaphore, #tpu.memory_space<semaphore_mem>>)
      tpu.wait_dma2 semaphore(%run_scoped3A : memref<!tpu.dma_semaphore, #tpu.memory_space<semaphore_mem>>) src(%arg3 : memref<64xf32, #tpu.memory_space<hbm>>) dst(%arg8 : memref<64xf32, #tpu.memory_space<vmem>>)
      tpu.yield
    }) : () -> ()
    %mul3A_1 = arith.constant 8 : i32
    %mul3A_2 = arith.muli %add3A, %mul3A_1 : i32
    "tpu.region"() ({
      %run_scoped3A = tpu.sem_alloc : memref<!tpu.dma_semaphore, #tpu.memory_space<semaphore_mem>>
      %dma_start3A_515 = arith.constant 0 : i32
      %dma_start3A_516 = tpu.memref_slice %arg4[%mul3A_2, %dma_start3A_515] : memref<128x128xi32, #tpu.memory_space<hbm>> -> memref<8x128xi32, #tpu.memory_space<hbm>>
      %dma_start3A_517 = arith.constant 0 : i32
      %dma_start3A_518 = tpu.memref_slice %arg4[%mul3A_2, %dma_start3A_517] : memref<128x128xi32, #tpu.memory_space<hbm>> -> memref<8x128xi32, #tpu.memory_space<hbm>>
      tpu.enqueue_dma source(%dma_start3A_518 : memref<8x128xi32, #tpu.memory_space<hbm>>) target(%arg6 : memref<8x128xi32, #tpu.memory_space<vmem>>) target_semaphore(%run_scoped3A : memref<!tpu.dma_semaphore, #tpu.memory_space<semaphore_mem>>)
      %dma_wait3A_519 = arith.constant 0 : i32
      %dma_wait3A_520 = tpu.memref_slice %arg4[%mul3A_2, %dma_wait3A_519] : memref<128x128xi32, #tpu.memory_space<hbm>> -> memref<8x128xi32, #tpu.memory_space<hbm>>
      %dma_wait3A_521 = arith.constant 0 : i32
      %dma_wait3A_522 = tpu.memref_slice %arg4[%mul3A_2, %dma_wait3A_521] : memref<128x128xi32, #tpu.memory_space<hbm>> -> memref<8x128xi32, #tpu.memory_space<hbm>>
      tpu.wait_dma2 semaphore(%run_scoped3A : memref<!tpu.dma_semaphore, #tpu.memory_space<semaphore_mem>>) src(%dma_wait3A_522 : memref<8x128xi32, #tpu.memory_space<hbm>>) dst(%arg6 : memref<8x128xi32, #tpu.memory_space<vmem>>)
      tpu.yield
    }) : () -> ()
    %get3A = arith.constant 0 : index
    %get3A_3 = tpu.vector_load %arg8[%get3A] {strides = array<i32>} : memref<64xf32, #tpu.memory_space<vmem>>, vector<16xf32>,
    %get3A_4 = vector.shape_cast %get3A_3 : vector<16xf32> to vector<16xf32>
    %get3A_5 = arith.constant 16 : index
    %get3A_6 = tpu.vector_load %arg8[%get3A_5] {strides = array<i32>} : memref<64xf32, #tpu.memory_space<vmem>>, vector<16xf32>,
    %get3A_7 = vector.shape_cast %get3A_6 : vector<16xf32> to vector<16xf32>
    %get3A_8 = arith.constant 32 : index
    %get3A_9 = tpu.vector_load %arg8[%get3A_8] {strides = array<i32>} : memref<64xf32, #tpu.memory_space<vmem>>, vector<16xf32>,
    %get3A_10 = vector.shape_cast %get3A_9 : vector<16xf32> to vector<16xf32>
    %get3A_11 = arith.constant 48 : index
    %get3A_12 = tpu.vector_load %arg8[%get3A_11] {strides = array<i32>} : memref<64xf32, #tpu.memory_space<vmem>>, vector<16xf32>,
    %get3A_13 = vector.shape_cast %get3A_12 : vector<16xf32> to vector<16xf32>
    %scan3A = arith.constant 0 : i32
    %scan3A_14 = arith.constant 0 : i32
    %scan3A_15 = arith.constant 128 : i32
    %scan3A_16 = arith.addi %scan3A_14, %scan3A_15 : i32
    %scan3A_17 = arith.constant 1 : i32
    %scan3A_18 = scf.for %scan3A_515 = %scan3A_14 to %scan3A_16 step %scan3A_17 iter_args(%scan3A_516 = %scan3A) -> (i32)  : i32 {
      %swap3A = arith.index_cast %scan3A_515 : i32 to index
      %swap3A_517 = arith.constant 0 : index
      %swap3A_518 = tpu.vector_load %arg7[%swap3A, %swap3A_517] {strides = array<i32>} : memref<1024x64xf32, #tpu.memory_space<vmem>>, vector<1x16xf32>,
      %swap3A_519 = vector.shape_cast %swap3A_518 : vector<1x16xf32> to vector<16xf32>
      %swap3A_520 = vector.shape_cast %get3A_4 : vector<16xf32> to vector<1x16xf32>
      tpu.vector_store %arg7[%swap3A, %swap3A_517], %swap3A_520 {strides = array<i32>} : memref<1024x64xf32, #tpu.memory_space<vmem>>, vector<1x16xf32>,
      %swap3A_521 = arith.index_cast %scan3A_515 : i32 to index
      %swap3A_522 = arith.constant 16 : index
      %swap3A_523 = tpu.vector_load %arg7[%swap3A_521, %swap3A_522] {strides = array<i32>} : memref<1024x64xf32, #tpu.memory_space<vmem>>, vector<1x16xf32>,
      %swap3A_524 = vector.shape_cast %swap3A_523 : vector<1x16xf32> to vector<16xf32>
      %swap3A_525 = vector.shape_cast %get3A_7 : vector<16xf32> to vector<1x16xf32>
      tpu.vector_store %arg7[%swap3A_521, %swap3A_522], %swap3A_525 {strides = array<i32>} : memref<1024x64xf32, #tpu.memory_space<vmem>>, vector<1x16xf32>,
      %swap3A_526 = arith.index_cast %scan3A_515 : i32 to index
      %swap3A_527 = arith.constant 32 : index
      %swap3A_528 = tpu.vector_load %arg7[%swap3A_526, %swap3A_527] {strides = array<i32>} : memref<1024x64xf32, #tpu.memory_space<vmem>>, vector<1x16xf32>,
      %swap3A_529 = vector.shape_cast %swap3A_528 : vector<1x16xf32> to vector<16xf32>
      %swap3A_530 = vector.shape_cast %get3A_10 : vector<16xf32> to vector<1x16xf32>
      tpu.vector_store %arg7[%swap3A_526, %swap3A_527], %swap3A_530 {strides = array<i32>} : memref<1024x64xf32, #tpu.memory_space<vmem>>, vector<1x16xf32>,
      %swap3A_531 = arith.index_cast %scan3A_515 : i32 to index
      %swap3A_532 = arith.constant 48 : index
      %swap3A_533 = tpu.vector_load %arg7[%swap3A_531, %swap3A_532] {strides = array<i32>} : memref<1024x64xf32, #tpu.memory_space<vmem>>, vector<1x16xf32>,
      %swap3A_534 = vector.shape_cast %swap3A_533 : vector<1x16xf32> to vector<16xf32>
      %swap3A_535 = vector.shape_cast %get3A_13 : vector<16xf32> to vector<1x16xf32>
      tpu.vector_store %arg7[%swap3A_531, %swap3A_532], %swap3A_535 {strides = array<i32>} : memref<1024x64xf32, #tpu.memory_space<vmem>>, vector<1x16xf32>,
      %scan3A_536 = arith.constant 0 : i32
      scf.yield %scan3A_536 : i32
    }
    %scan3A_19 = arith.constant 128 : i32
    %dma_start3A = arith.constant 0 : i32
    %dma_start3A_20 = arith.constant 0 : i32
    %dma_start3A_21 = arith.constant 0 : i32
    %dma_start3A_22 = arith.constant 0 : i32
    %dma_start3A_23 = tpu.memref_slice %arg7[%dma_start3A_21, %dma_start3A_22] : memref<1024x64xf32, #tpu.memory_space<vmem>> -> memref<128x64xf32, #tpu.memory_space<vmem>>
    %dma_start3A_24 = arith.constant 0 : i32
    %dma_start3A_25 = tpu.memref_slice %arg6[%dma_start3A, %dma_start3A_24] : memref<8x128xi32, #tpu.memory_space<vmem>> -> memref<1x128xi32, #tpu.memory_space<vmem>>
    %dma_start3A_26 = tpu.memref_squeeze %dma_start3A_25 : memref<1x128xi32, #tpu.memory_space<vmem>> -> memref<128xi32, #tpu.memory_space<vmem>>
    %dma_start3A_27 = arith.constant 0 : i32
    %dma_start3A_28 = arith.constant 0 : i32
    %dma_start3A_29 = tpu.memref_slice %arg2[%dma_start3A_27, %dma_start3A_28] : memref<1000x64xf32, #tpu.memory_space<hbm>> -> memref<1000x64xf32, #tpu.memory_space<hbm>>
    %dma_start3A_30 = tpu.memref_slice %arg9[%dma_start3A_20] : memref<8x!tpu.dma_semaphore, #tpu.memory_space<semaphore_mem>> -> memref<1x!tpu.dma_semaphore, #tpu.memory_space<semaphore_mem>>
    %dma_start3A_31 = tpu.memref_squeeze %dma_start3A_30 : memref<1x!tpu.dma_semaphore, #tpu.memory_space<semaphore_mem>> -> memref<!tpu.dma_semaphore, #tpu.memory_space<semaphore_mem>>
    tpu.enqueue_indirect_dma source(%dma_start3A_29 : memref<1000x64xf32, #tpu.memory_space<hbm>>) target(%dma_start3A_23 : memref<128x64xf32, #tpu.memory_space<vmem>>) offsets(%dma_start3A_26 : memref<128xi32, #tpu.memory_space<vmem>>) semaphore(%dma_start3A_31 : memref<!tpu.dma_semaphore, #tpu.memory_space<semaphore_mem>>) {add = true}
    %scan3A_32 = arith.constant 0 : i32
    %scan3A_33 = arith.constant 128 : i32
    %scan3A_34 = arith.constant 128 : i32
    %scan3A_35 = arith.addi %scan3A_33, %scan3A_34 : i32
    %scan3A_36 = arith.constant 1 : i32
    %scan3A_37 = scf.for %scan3A_515 = %scan3A_33 to %scan3A_35 step %scan3A_36 iter_args(%scan3A_516 = %scan3A_32) -> (i32)  : i32 {
      %swap3A = arith.index_cast %scan3A_515 : i32 to index
      %swap3A_517 = arith.constant 0 : index
      %swap3A_518 = tpu.vector_load %arg7[%swap3A, %swap3A_517] {strides = array<i32>} : memref<1024x64xf32, #tpu.memory_space<vmem>>, vector<1x16xf32>,
      %swap3A_519 = vector.shape_cast %swap3A_518 : vector<1x16xf32> to vector<16xf32>
      %swap3A_520 = vector.shape_cast %get3A_4 : vector<16xf32> to vector<1x16xf32>
      tpu.vector_store %arg7[%swap3A, %swap3A_517], %swap3A_520 {strides = array<i32>} : memref<1024x64xf32, #tpu.memory_space<vmem>>, vector<1x16xf32>,
      %swap3A_521 = arith.index_cast %scan3A_515 : i32 to index
      %swap3A_522 = arith.constant 16 : index
      %swap3A_523 = tpu.vector_load %arg7[%swap3A_521, %swap3A_522] {strides = array<i32>} : memref<1024x64xf32, #tpu.memory_space<vmem>>, vector<1x16xf32>,
      %swap3A_524 = vector.shape_cast %swap3A_523 : vector<1x16xf32> to vector<16xf32>
      %swap3A_525 = vector.shape_cast %get3A_7 : vector<16xf32> to vector<1x16xf32>
      tpu.vector_store %arg7[%swap3A_521, %swap3A_522], %swap3A_525 {strides = array<i32>} : memref<1024x64xf32, #tpu.memory_space<vmem>>, vector<1x16xf32>,
      %swap3A_526 = arith.index_cast %scan3A_515 : i32 to index
      %swap3A_527 = arith.constant 32 : index
      %swap3A_528 = tpu.vector_load %arg7[%swap3A_526, %swap3A_527] {strides = array<i32>} : memref<1024x64xf32, #tpu.memory_space<vmem>>, vector<1x16xf32>,
      %swap3A_529 = vector.shape_cast %swap3A_528 : vector<1x16xf32> to vector<16xf32>
      %swap3A_530 = vector.shape_cast %get3A_10 : vector<16xf32> to vector<1x16xf32>
      tpu.vector_store %arg7[%swap3A_526, %swap3A_527], %swap3A_530 {strides = array<i32>} : memref<1024x64xf32, #tpu.memory_space<vmem>>, vector<1x16xf32>,
      %swap3A_531 = arith.index_cast %scan3A_515 : i32 to index
      %swap3A_532 = arith.constant 48 : index
      %swap3A_533 = tpu.vector_load %arg7[%swap3A_531, %swap3A_532] {strides = array<i32>} : memref<1024x64xf32, #tpu.memory_space<vmem>>, vector<1x16xf32>,
      %swap3A_534 = vector.shape_cast %swap3A_533 : vector<1x16xf32> to vector<16xf32>
      %swap3A_535 = vector.shape_cast %get3A_13 : vector<16xf32> to vector<1x16xf32>
      tpu.vector_store %arg7[%swap3A_531, %swap3A_532], %swap3A_535 {strides = array<i32>} : memref<1024x64xf32, #tpu.memory_space<vmem>>, vector<1x16xf32>,
      %scan3A_536 = arith.constant 0 : i32
      scf.yield %scan3A_536 : i32
    }
    %scan3A_38 = arith.constant 128 : i32
    %dma_start3A_39 = arith.constant 1 : i32
    %dma_start3A_40 = arith.constant 1 : i32
    %dma_start3A_41 = arith.constant 128 : i32
    %dma_start3A_42 = arith.constant 0 : i32
    %dma_start3A_43 = tpu.memref_slice %arg7[%dma_start3A_41, %dma_start3A_42] : memref<1024x64xf32, #tpu.memory_space<vmem>> -> memref<128x64xf32, #tpu.memory_space<vmem>>
    %dma_start3A_44 = arith.constant 0 : i32
    %dma_start3A_45 = tpu.memref_slice %arg6[%dma_start3A_39, %dma_start3A_44] : memref<8x128xi32, #tpu.memory_space<vmem>> -> memref<1x128xi32, #tpu.memory_space<vmem>>
    %dma_start3A_46 = tpu.memref_squeeze %dma_start3A_45 : memref<1x128xi32, #tpu.memory_space<vmem>> -> memref<128xi32, #tpu.memory_space<vmem>>
    %dma_start3A_47 = arith.constant 0 : i32
    %dma_start3A_48 = arith.constant 0 : i32
    %dma_start3A_49 = tpu.memref_slice %arg2[%dma_start3A_47, %dma_start3A_48] : memref<1000x64xf32, #tpu.memory_space<hbm>> -> memref<1000x64xf32, #tpu.memory_space<hbm>>
    %dma_start3A_50 = tpu.memref_slice %arg9[%dma_start3A_40] : memref<8x!tpu.dma_semaphore, #tpu.memory_space<semaphore_mem>> -> memref<1x!tpu.dma_semaphore, #tpu.memory_space<semaphore_mem>>
    %dma_start3A_51 = tpu.memref_squeeze %dma_start3A_50 : memref<1x!tpu.dma_semaphore, #tpu.memory_space<semaphore_mem>> -> memref<!tpu.dma_semaphore, #tpu.memory_space<semaphore_mem>>
    tpu.enqueue_indirect_dma source(%dma_start3A_49 : memref<1000x64xf32, #tpu.memory_space<hbm>>) target(%dma_start3A_43 : memref<128x64xf32, #tpu.memory_space<vmem>>) offsets(%dma_start3A_46 : memref<128xi32, #tpu.memory_space<vmem>>) semaphore(%dma_start3A_51 : memref<!tpu.dma_semaphore, #tpu.memory_space<semaphore_mem>>) {add = true}
    %scan3A_52 = arith.constant 0 : i32
    %scan3A_53 = arith.constant 256 : i32
    %scan3A_54 = arith.constant 128 : i32
    %scan3A_55 = arith.addi %scan3A_53, %scan3A_54 : i32
    %scan3A_56 = arith.constant 1 : i32
    %scan3A_57 = scf.for %scan3A_515 = %scan3A_53 to %scan3A_55 step %scan3A_56 iter_args(%scan3A_516 = %scan3A_52) -> (i32)  : i32 {
      %swap3A = arith.index_cast %scan3A_515 : i32 to index
      %swap3A_517 = arith.constant 0 : index
      %swap3A_518 = tpu.vector_load %arg7[%swap3A, %swap3A_517] {strides = array<i32>} : memref<1024x64xf32, #tpu.memory_space<vmem>>, vector<1x16xf32>,
      %swap3A_519 = vector.shape_cast %swap3A_518 : vector<1x16xf32> to vector<16xf32>
      %swap3A_520 = vector.shape_cast %get3A_4 : vector<16xf32> to vector<1x16xf32>
      tpu.vector_store %arg7[%swap3A, %swap3A_517], %swap3A_520 {strides = array<i32>} : memref<1024x64xf32, #tpu.memory_space<vmem>>, vector<1x16xf32>,
      %swap3A_521 = arith.index_cast %scan3A_515 : i32 to index
      %swap3A_522 = arith.constant 16 : index
      %swap3A_523 = tpu.vector_load %arg7[%swap3A_521, %swap3A_522] {strides = array<i32>} : memref<1024x64xf32, #tpu.memory_space<vmem>>, vector<1x16xf32>,
      %swap3A_524 = vector.shape_cast %swap3A_523 : vector<1x16xf32> to vector<16xf32>
      %swap3A_525 = vector.shape_cast %get3A_7 : vector<16xf32> to vector<1x16xf32>
      tpu.vector_store %arg7[%swap3A_521, %swap3A_522], %swap3A_525 {strides = array<i32>} : memref<1024x64xf32, #tpu.memory_space<vmem>>, vector<1x16xf32>,
      %swap3A_526 = arith.index_cast %scan3A_515 : i32 to index
      %swap3A_527 = arith.constant 32 : index
      %swap3A_528 = tpu.vector_load %arg7[%swap3A_526, %swap3A_527] {strides = array<i32>} : memref<1024x64xf32, #tpu.memory_space<vmem>>, vector<1x16xf32>,
      %swap3A_529 = vector.shape_cast %swap3A_528 : vector<1x16xf32> to vector<16xf32>
      %swap3A_530 = vector.shape_cast %get3A_10 : vector<16xf32> to vector<1x16xf32>
      tpu.vector_store %arg7[%swap3A_526, %swap3A_527], %swap3A_530 {strides = array<i32>} : memref<1024x64xf32, #tpu.memory_space<vmem>>, vector<1x16xf32>,
      %swap3A_531 = arith.index_cast %scan3A_515 : i32 to index
      %swap3A_532 = arith.constant 48 : index
      %swap3A_533 = tpu.vector_load %arg7[%swap3A_531, %swap3A_532] {strides = array<i32>} : memref<1024x64xf32, #tpu.memory_space<vmem>>, vector<1x16xf32>,
      %swap3A_534 = vector.shape_cast %swap3A_533 : vector<1x16xf32> to vector<16xf32>
      %swap3A_535 = vector.shape_cast %get3A_13 : vector<16xf32> to vector<1x16xf32>
      tpu.vector_store %arg7[%swap3A_531, %swap3A_532], %swap3A_535 {strides = array<i32>} : memref<1024x64xf32, #tpu.memory_space<vmem>>, vector<1x16xf32>,
      %scan3A_536 = arith.constant 0 : i32
      scf.yield %scan3A_536 : i32
    }
    %scan3A_58 = arith.constant 128 : i32
    %dma_start3A_59 = arith.constant 2 : i32
    %dma_start3A_60 = arith.constant 2 : i32
    %dma_start3A_61 = arith.constant 256 : i32
    %dma_start3A_62 = arith.constant 0 : i32
    %dma_start3A_63 = tpu.memref_slice %arg7[%dma_start3A_61, %dma_start3A_62] : memref<1024x64xf32, #tpu.memory_space<vmem>> -> memref<128x64xf32, #tpu.memory_space<vmem>>
    %dma_start3A_64 = arith.constant 0 : i32
    %dma_start3A_65 = tpu.memref_slice %arg6[%dma_start3A_59, %dma_start3A_64] : memref<8x128xi32, #tpu.memory_space<vmem>> -> memref<1x128xi32, #tpu.memory_space<vmem>>
    %dma_start3A_66 = tpu.memref_squeeze %dma_start3A_65 : memref<1x128xi32, #tpu.memory_space<vmem>> -> memref<128xi32, #tpu.memory_space<vmem>>
    %dma_start3A_67 = arith.constant 0 : i32
    %dma_start3A_68 = arith.constant 0 : i32
    %dma_start3A_69 = tpu.memref_slice %arg2[%dma_start3A_67, %dma_start3A_68] : memref<1000x64xf32, #tpu.memory_space<hbm>> -> memref<1000x64xf32, #tpu.memory_space<hbm>>
    %dma_start3A_70 = tpu.memref_slice %arg9[%dma_start3A_60] : memref<8x!tpu.dma_semaphore, #tpu.memory_space<semaphore_mem>> -> memref<1x!tpu.dma_semaphore, #tpu.memory_space<semaphore_mem>>
    %dma_start3A_71 = tpu.memref_squeeze %dma_start3A_70 : memref<1x!tpu.dma_semaphore, #tpu.memory_space<semaphore_mem>> -> memref<!tpu.dma_semaphore, #tpu.memory_space<semaphore_mem>>
    tpu.enqueue_indirect_dma source(%dma_start3A_69 : memref<1000x64xf32, #tpu.memory_space<hbm>>) target(%dma_start3A_63 : memref<128x64xf32, #tpu.memory_space<vmem>>) offsets(%dma_start3A_66 : memref<128xi32, #tpu.memory_space<vmem>>) semaphore(%dma_start3A_71 : memref<!tpu.dma_semaphore, #tpu.memory_space<semaphore_mem>>) {add = true}
    %scan3A_72 = arith.constant 0 : i32
    %scan3A_73 = arith.constant 384 : i32
    %scan3A_74 = arith.constant 128 : i32
    %scan3A_75 = arith.addi %scan3A_73, %scan3A_74 : i32
    %scan3A_76 = arith.constant 1 : i32
    %scan3A_77 = scf.for %scan3A_515 = %scan3A_73 to %scan3A_75 step %scan3A_76 iter_args(%scan3A_516 = %scan3A_72) -> (i32)  : i32 {
      %swap3A = arith.index_cast %scan3A_515 : i32 to index
      %swap3A_517 = arith.constant 0 : index
      %swap3A_518 = tpu.vector_load %arg7[%swap3A, %swap3A_517] {strides = array<i32>} : memref<1024x64xf32, #tpu.memory_space<vmem>>, vector<1x16xf32>,
      %swap3A_519 = vector.shape_cast %swap3A_518 : vector<1x16xf32> to vector<16xf32>
      %swap3A_520 = vector.shape_cast %get3A_4 : vector<16xf32> to vector<1x16xf32>
      tpu.vector_store %arg7[%swap3A, %swap3A_517], %swap3A_520 {strides = array<i32>} : memref<1024x64xf32, #tpu.memory_space<vmem>>, vector<1x16xf32>,
      %swap3A_521 = arith.index_cast %scan3A_515 : i32 to index
      %swap3A_522 = arith.constant 16 : index
      %swap3A_523 = tpu.vector_load %arg7[%swap3A_521, %swap3A_522] {strides = array<i32>} : memref<1024x64xf32, #tpu.memory_space<vmem>>, vector<1x16xf32>,
      %swap3A_524 = vector.shape_cast %swap3A_523 : vector<1x16xf32> to vector<16xf32>
      %swap3A_525 = vector.shape_cast %get3A_7 : vector<16xf32> to vector<1x16xf32>
      tpu.vector_store %arg7[%swap3A_521, %swap3A_522], %swap3A_525 {strides = array<i32>} : memref<1024x64xf32, #tpu.memory_space<vmem>>, vector<1x16xf32>,
      %swap3A_526 = arith.index_cast %scan3A_515 : i32 to index
      %swap3A_527 = arith.constant 32 : index
      %swap3A_528 = tpu.vector_load %arg7[%swap3A_526, %swap3A_527] {strides = array<i32>} : memref<1024x64xf32, #tpu.memory_space<vmem>>, vector<1x16xf32>,
      %swap3A_529 = vector.shape_cast %swap3A_528 : vector<1x16xf32> to vector<16xf32>
      %swap3A_530 = vector.shape_cast %get3A_10 : vector<16xf32> to vector<1x16xf32>
      tpu.vector_store %arg7[%swap3A_526, %swap3A_527], %swap3A_530 {strides = array<i32>} : memref<1024x64xf32, #tpu.memory_space<vmem>>, vector<1x16xf32>,
      %swap3A_531 = arith.index_cast %scan3A_515 : i32 to index
      %swap3A_532 = arith.constant 48 : index
      %swap3A_533 = tpu.vector_load %arg7[%swap3A_531, %swap3A_532] {strides = array<i32>} : memref<1024x64xf32, #tpu.memory_space<vmem>>, vector<1x16xf32>,
      %swap3A_534 = vector.shape_cast %swap3A_533 : vector<1x16xf32> to vector<16xf32>
      %swap3A_535 = vector.shape_cast %get3A_13 : vector<16xf32> to vector<1x16xf32>
      tpu.vector_store %arg7[%swap3A_531, %swap3A_532], %swap3A_535 {strides = array<i32>} : memref<1024x64xf32, #tpu.memory_space<vmem>>, vector<1x16xf32>,
      %scan3A_536 = arith.constant 0 : i32
      scf.yield %scan3A_536 : i32
    }
    %scan3A_78 = arith.constant 128 : i32
    %dma_start3A_79 = arith.constant 3 : i32
    %dma_start3A_80 = arith.constant 3 : i32
    %dma_start3A_81 = arith.constant 384 : i32
    %dma_start3A_82 = arith.constant 0 : i32
    %dma_start3A_83 = tpu.memref_slice %arg7[%dma_start3A_81, %dma_start3A_82] : memref<1024x64xf32, #tpu.memory_space<vmem>> -> memref<128x64xf32, #tpu.memory_space<vmem>>
    %dma_start3A_84 = arith.constant 0 : i32
    %dma_start3A_85 = tpu.memref_slice %arg6[%dma_start3A_79, %dma_start3A_84] : memref<8x128xi32, #tpu.memory_space<vmem>> -> memref<1x128xi32, #tpu.memory_space<vmem>>
    %dma_start3A_86 = tpu.memref_squeeze %dma_start3A_85 : memref<1x128xi32, #tpu.memory_space<vmem>> -> memref<128xi32, #tpu.memory_space<vmem>>
    %dma_start3A_87 = arith.constant 0 : i32
    %dma_start3A_88 = arith.constant 0 : i32
    %dma_start3A_89 = tpu.memref_slice %arg2[%dma_start3A_87, %dma_start3A_88] : memref<1000x64xf32, #tpu.memory_space<hbm>> -> memref<1000x64xf32, #tpu.memory_space<hbm>>
    %dma_start3A_90 = tpu.memref_slice %arg9[%dma_start3A_80] : memref<8x!tpu.dma_semaphore, #tpu.memory_space<semaphore_mem>> -> memref<1x!tpu.dma_semaphore, #tpu.memory_space<semaphore_mem>>
    %dma_start3A_91 = tpu.memref_squeeze %dma_start3A_90 : memref<1x!tpu.dma_semaphore, #tpu.memory_space<semaphore_mem>> -> memref<!tpu.dma_semaphore, #tpu.memory_space<semaphore_mem>>
    tpu.enqueue_indirect_dma source(%dma_start3A_89 : memref<1000x64xf32, #tpu.memory_space<hbm>>) target(%dma_start3A_83 : memref<128x64xf32, #tpu.memory_space<vmem>>) offsets(%dma_start3A_86 : memref<128xi32, #tpu.memory_space<vmem>>) semaphore(%dma_start3A_91 : memref<!tpu.dma_semaphore, #tpu.memory_space<semaphore_mem>>) {add = true}
    %scan3A_92 = arith.constant 0 : i32
    %scan3A_93 = arith.constant 512 : i32
    %scan3A_94 = arith.constant 128 : i32
    %scan3A_95 = arith.addi %scan3A_93, %scan3A_94 : i32
    %scan3A_96 = arith.constant 1 : i32
    %scan3A_97 = scf.for %scan3A_515 = %scan3A_93 to %scan3A_95 step %scan3A_96 iter_args(%scan3A_516 = %scan3A_92) -> (i32)  : i32 {
      %swap3A = arith.index_cast %scan3A_515 : i32 to index
      %swap3A_517 = arith.constant 0 : index
      %swap3A_518 = tpu.vector_load %arg7[%swap3A, %swap3A_517] {strides = array<i32>} : memref<1024x64xf32, #tpu.memory_space<vmem>>, vector<1x16xf32>,
      %swap3A_519 = vector.shape_cast %swap3A_518 : vector<1x16xf32> to vector<16xf32>
      %swap3A_520 = vector.shape_cast %get3A_4 : vector<16xf32> to vector<1x16xf32>
      tpu.vector_store %arg7[%swap3A, %swap3A_517], %swap3A_520 {strides = array<i32>} : memref<1024x64xf32, #tpu.memory_space<vmem>>, vector<1x16xf32>,
      %swap3A_521 = arith.index_cast %scan3A_515 : i32 to index
      %swap3A_522 = arith.constant 16 : index
      %swap3A_523 = tpu.vector_load %arg7[%swap3A_521, %swap3A_522] {strides = array<i32>} : memref<1024x64xf32, #tpu.memory_space<vmem>>, vector<1x16xf32>,
      %swap3A_524 = vector.shape_cast %swap3A_523 : vector<1x16xf32> to vector<16xf32>
      %swap3A_525 = vector.shape_cast %get3A_7 : vector<16xf32> to vector<1x16xf32>
      tpu.vector_store %arg7[%swap3A_521, %swap3A_522], %swap3A_525 {strides = array<i32>} : memref<1024x64xf32, #tpu.memory_space<vmem>>, vector<1x16xf32>,
      %swap3A_526 = arith.index_cast %scan3A_515 : i32 to index
      %swap3A_527 = arith.constant 32 : index
      %swap3A_528 = tpu.vector_load %arg7[%swap3A_526, %swap3A_527] {strides = array<i32>} : memref<1024x64xf32, #tpu.memory_space<vmem>>, vector<1x16xf32>,
      %swap3A_529 = vector.shape_cast %swap3A_528 : vector<1x16xf32> to vector<16xf32>
      %swap3A_530 = vector.shape_cast %get3A_10 : vector<16xf32> to vector<1x16xf32>
      tpu.vector_store %arg7[%swap3A_526, %swap3A_527], %swap3A_530 {strides = array<i32>} : memref<1024x64xf32, #tpu.memory_space<vmem>>, vector<1x16xf32>,
      %swap3A_531 = arith.index_cast %scan3A_515 : i32 to index
      %swap3A_532 = arith.constant 48 : index
      %swap3A_533 = tpu.vector_load %arg7[%swap3A_531, %swap3A_532] {strides = array<i32>} : memref<1024x64xf32, #tpu.memory_space<vmem>>, vector<1x16xf32>,
      %swap3A_534 = vector.shape_cast %swap3A_533 : vector<1x16xf32> to vector<16xf32>
      %swap3A_535 = vector.shape_cast %get3A_13 : vector<16xf32> to vector<1x16xf32>
      tpu.vector_store %arg7[%swap3A_531, %swap3A_532], %swap3A_535 {strides = array<i32>} : memref<1024x64xf32, #tpu.memory_space<vmem>>, vector<1x16xf32>,
      %scan3A_536 = arith.constant 0 : i32
      scf.yield %scan3A_536 : i32
    }
    %scan3A_98 = arith.constant 128 : i32
    %dma_start3A_99 = arith.constant 4 : i32
    %dma_start3A_100 = arith.constant 4 : i32
    %dma_start3A_101 = arith.constant 512 : i32
    %dma_start3A_102 = arith.constant 0 : i32
    %dma_start3A_103 = tpu.memref_slice %arg7[%dma_start3A_101, %dma_start3A_102] : memref<1024x64xf32, #tpu.memory_space<vmem>> -> memref<128x64xf32, #tpu.memory_space<vmem>>
    %dma_start3A_104 = arith.constant 0 : i32
    %dma_start3A_105 = tpu.memref_slice %arg6[%dma_start3A_99, %dma_start3A_104] : memref<8x128xi32, #tpu.memory_space<vmem>> -> memref<1x128xi32, #tpu.memory_space<vmem>>
    %dma_start3A_106 = tpu.memref_squeeze %dma_start3A_105 : memref<1x128xi32, #tpu.memory_space<vmem>> -> memref<128xi32, #tpu.memory_space<vmem>>
    %dma_start3A_107 = arith.constant 0 : i32
    %dma_start3A_108 = arith.constant 0 : i32
    %dma_start3A_109 = tpu.memref_slice %arg2[%dma_start3A_107, %dma_start3A_108] : memref<1000x64xf32, #tpu.memory_space<hbm>> -> memref<1000x64xf32, #tpu.memory_space<hbm>>
    %dma_start3A_110 = tpu.memref_slice %arg9[%dma_start3A_100] : memref<8x!tpu.dma_semaphore, #tpu.memory_space<semaphore_mem>> -> memref<1x!tpu.dma_semaphore, #tpu.memory_space<semaphore_mem>>
    %dma_start3A_111 = tpu.memref_squeeze %dma_start3A_110 : memref<1x!tpu.dma_semaphore, #tpu.memory_space<semaphore_mem>> -> memref<!tpu.dma_semaphore, #tpu.memory_space<semaphore_mem>>
    tpu.enqueue_indirect_dma source(%dma_start3A_109 : memref<1000x64xf32, #tpu.memory_space<hbm>>) target(%dma_start3A_103 : memref<128x64xf32, #tpu.memory_space<vmem>>) offsets(%dma_start3A_106 : memref<128xi32, #tpu.memory_space<vmem>>) semaphore(%dma_start3A_111 : memref<!tpu.dma_semaphore, #tpu.memory_space<semaphore_mem>>) {add = true}
    %scan3A_112 = arith.constant 0 : i32
    %scan3A_113 = arith.constant 640 : i32
    %scan3A_114 = arith.constant 128 : i32
    %scan3A_115 = arith.addi %scan3A_113, %scan3A_114 : i32
    %scan3A_116 = arith.constant 1 : i32
    %scan3A_117 = scf.for %scan3A_515 = %scan3A_113 to %scan3A_115 step %scan3A_116 iter_args(%scan3A_516 = %scan3A_112) -> (i32)  : i32 {
      %swap3A = arith.index_cast %scan3A_515 : i32 to index
      %swap3A_517 = arith.constant 0 : index
      %swap3A_518 = tpu.vector_load %arg7[%swap3A, %swap3A_517] {strides = array<i32>} : memref<1024x64xf32, #tpu.memory_space<vmem>>, vector<1x16xf32>,
      %swap3A_519 = vector.shape_cast %swap3A_518 : vector<1x16xf32> to vector<16xf32>
      %swap3A_520 = vector.shape_cast %get3A_4 : vector<16xf32> to vector<1x16xf32>
      tpu.vector_store %arg7[%swap3A, %swap3A_517], %swap3A_520 {strides = array<i32>} : memref<1024x64xf32, #tpu.memory_space<vmem>>, vector<1x16xf32>,
      %swap3A_521 = arith.index_cast %scan3A_515 : i32 to index
      %swap3A_522 = arith.constant 16 : index
      %swap3A_523 = tpu.vector_load %arg7[%swap3A_521, %swap3A_522] {strides = array<i32>} : memref<1024x64xf32, #tpu.memory_space<vmem>>, vector<1x16xf32>,
      %swap3A_524 = vector.shape_cast %swap3A_523 : vector<1x16xf32> to vector<16xf32>
      %swap3A_525 = vector.shape_cast %get3A_7 : vector<16xf32> to vector<1x16xf32>
      tpu.vector_store %arg7[%swap3A_521, %swap3A_522], %swap3A_525 {strides = array<i32>} : memref<1024x64xf32, #tpu.memory_space<vmem>>, vector<1x16xf32>,
      %swap3A_526 = arith.index_cast %scan3A_515 : i32 to index
      %swap3A_527 = arith.constant 32 : index
      %swap3A_528 = tpu.vector_load %arg7[%swap3A_526, %swap3A_527] {strides = array<i32>} : memref<1024x64xf32, #tpu.memory_space<vmem>>, vector<1x16xf32>,
      %swap3A_529 = vector.shape_cast %swap3A_528 : vector<1x16xf32> to vector<16xf32>
      %swap3A_530 = vector.shape_cast %get3A_10 : vector<16xf32> to vector<1x16xf32>
      tpu.vector_store %arg7[%swap3A_526, %swap3A_527], %swap3A_530 {strides = array<i32>} : memref<1024x64xf32, #tpu.memory_space<vmem>>, vector<1x16xf32>,
      %swap3A_531 = arith.index_cast %scan3A_515 : i32 to index
      %swap3A_532 = arith.constant 48 : index
      %swap3A_533 = tpu.vector_load %arg7[%swap3A_531, %swap3A_532] {strides = array<i32>} : memref<1024x64xf32, #tpu.memory_space<vmem>>, vector<1x16xf32>,
      %swap3A_534 = vector.shape_cast %swap3A_533 : vector<1x16xf32> to vector<16xf32>
      %swap3A_535 = vector.shape_cast %get3A_13 : vector<16xf32> to vector<1x16xf32>
      tpu.vector_store %arg7[%swap3A_531, %swap3A_532], %swap3A_535 {strides = array<i32>} : memref<1024x64xf32, #tpu.memory_space<vmem>>, vector<1x16xf32>,
      %scan3A_536 = arith.constant 0 : i32
      scf.yield %scan3A_536 : i32
    }
    %scan3A_118 = arith.constant 128 : i32
    %dma_start3A_119 = arith.constant 5 : i32
    %dma_start3A_120 = arith.constant 5 : i32
    %dma_start3A_121 = arith.constant 640 : i32
    %dma_start3A_122 = arith.constant 0 : i32
    %dma_start3A_123 = tpu.memref_slice %arg7[%dma_start3A_121, %dma_start3A_122] : memref<1024x64xf32, #tpu.memory_space<vmem>> -> memref<128x64xf32, #tpu.memory_space<vmem>>
    %dma_start3A_124 = arith.constant 0 : i32
    %dma_start3A_125 = tpu.memref_slice %arg6[%dma_start3A_119, %dma_start3A_124] : memref<8x128xi32, #tpu.memory_space<vmem>> -> memref<1x128xi32, #tpu.memory_space<vmem>>
    %dma_start3A_126 = tpu.memref_squeeze %dma_start3A_125 : memref<1x128xi32, #tpu.memory_space<vmem>> -> memref<128xi32, #tpu.memory_space<vmem>>
    %dma_start3A_127 = arith.constant 0 : i32
    %dma_start3A_128 = arith.constant 0 : i32
    %dma_start3A_129 = tpu.memref_slice %arg2[%dma_start3A_127, %dma_start3A_128] : memref<1000x64xf32, #tpu.memory_space<hbm>> -> memref<1000x64xf32, #tpu.memory_space<hbm>>
    %dma_start3A_130 = tpu.memref_slice %arg9[%dma_start3A_120] : memref<8x!tpu.dma_semaphore, #tpu.memory_space<semaphore_mem>> -> memref<1x!tpu.dma_semaphore, #tpu.memory_space<semaphore_mem>>
    %dma_start3A_131 = tpu.memref_squeeze %dma_start3A_130 : memref<1x!tpu.dma_semaphore, #tpu.memory_space<semaphore_mem>> -> memref<!tpu.dma_semaphore, #tpu.memory_space<semaphore_mem>>
    tpu.enqueue_indirect_dma source(%dma_start3A_129 : memref<1000x64xf32, #tpu.memory_space<hbm>>) target(%dma_start3A_123 : memref<128x64xf32, #tpu.memory_space<vmem>>) offsets(%dma_start3A_126 : memref<128xi32, #tpu.memory_space<vmem>>) semaphore(%dma_start3A_131 : memref<!tpu.dma_semaphore, #tpu.memory_space<semaphore_mem>>) {add = true}
    %scan3A_132 = arith.constant 0 : i32
    %scan3A_133 = arith.constant 768 : i32
    %scan3A_134 = arith.constant 128 : i32
    %scan3A_135 = arith.addi %scan3A_133, %scan3A_134 : i32
    %scan3A_136 = arith.constant 1 : i32
    %scan3A_137 = scf.for %scan3A_515 = %scan3A_133 to %scan3A_135 step %scan3A_136 iter_args(%scan3A_516 = %scan3A_132) -> (i32)  : i32 {
      %swap3A = arith.index_cast %scan3A_515 : i32 to index
      %swap3A_517 = arith.constant 0 : index
      %swap3A_518 = tpu.vector_load %arg7[%swap3A, %swap3A_517] {strides = array<i32>} : memref<1024x64xf32, #tpu.memory_space<vmem>>, vector<1x16xf32>,
      %swap3A_519 = vector.shape_cast %swap3A_518 : vector<1x16xf32> to vector<16xf32>
      %swap3A_520 = vector.shape_cast %get3A_4 : vector<16xf32> to vector<1x16xf32>
      tpu.vector_store %arg7[%swap3A, %swap3A_517], %swap3A_520 {strides = array<i32>} : memref<1024x64xf32, #tpu.memory_space<vmem>>, vector<1x16xf32>,
      %swap3A_521 = arith.index_cast %scan3A_515 : i32 to index
      %swap3A_522 = arith.constant 16 : index
      %swap3A_523 = tpu.vector_load %arg7[%swap3A_521, %swap3A_522] {strides = array<i32>} : memref<1024x64xf32, #tpu.memory_space<vmem>>, vector<1x16xf32>,
      %swap3A_524 = vector.shape_cast %swap3A_523 : vector<1x16xf32> to vector<16xf32>
      %swap3A_525 = vector.shape_cast %get3A_7 : vector<16xf32> to vector<1x16xf32>
      tpu.vector_store %arg7[%swap3A_521, %swap3A_522], %swap3A_525 {strides = array<i32>} : memref<1024x64xf32, #tpu.memory_space<vmem>>, vector<1x16xf32>,
      %swap3A_526 = arith.index_cast %scan3A_515 : i32 to index
      %swap3A_527 = arith.constant 32 : index
      %swap3A_528 = tpu.vector_load %arg7[%swap3A_526, %swap3A_527] {strides = array<i32>} : memref<1024x64xf32, #tpu.memory_space<vmem>>, vector<1x16xf32>,
      %swap3A_529 = vector.shape_cast %swap3A_528 : vector<1x16xf32> to vector<16xf32>
      %swap3A_530 = vector.shape_cast %get3A_10 : vector<16xf32> to vector<1x16xf32>
      tpu.vector_store %arg7[%swap3A_526, %swap3A_527], %swap3A_530 {strides = array<i32>} : memref<1024x64xf32, #tpu.memory_space<vmem>>, vector<1x16xf32>,
      %swap3A_531 = arith.index_cast %scan3A_515 : i32 to index
      %swap3A_532 = arith.constant 48 : index
      %swap3A_533 = tpu.vector_load %arg7[%swap3A_531, %swap3A_532] {strides = array<i32>} : memref<1024x64xf32, #tpu.memory_space<vmem>>, vector<1x16xf32>,
      %swap3A_534 = vector.shape_cast %swap3A_533 : vector<1x16xf32> to vector<16xf32>
      %swap3A_535 = vector.shape_cast %get3A_13 : vector<16xf32> to vector<1x16xf32>
      tpu.vector_store %arg7[%swap3A_531, %swap3A_532], %swap3A_535 {strides = array<i32>} : memref<1024x64xf32, #tpu.memory_space<vmem>>, vector<1x16xf32>,
      %scan3A_536 = arith.constant 0 : i32
      scf.yield %scan3A_536 : i32
    }
    %scan3A_138 = arith.constant 128 : i32
    %dma_start3A_139 = arith.constant 6 : i32
    %dma_start3A_140 = arith.constant 6 : i32
    %dma_start3A_141 = arith.constant 768 : i32
    %dma_start3A_142 = arith.constant 0 : i32
    %dma_start3A_143 = tpu.memref_slice %arg7[%dma_start3A_141, %dma_start3A_142] : memref<1024x64xf32, #tpu.memory_space<vmem>> -> memref<128x64xf32, #tpu.memory_space<vmem>>
    %dma_start3A_144 = arith.constant 0 : i32
    %dma_start3A_145 = tpu.memref_slice %arg6[%dma_start3A_139, %dma_start3A_144] : memref<8x128xi32, #tpu.memory_space<vmem>> -> memref<1x128xi32, #tpu.memory_space<vmem>>
    %dma_start3A_146 = tpu.memref_squeeze %dma_start3A_145 : memref<1x128xi32, #tpu.memory_space<vmem>> -> memref<128xi32, #tpu.memory_space<vmem>>
    %dma_start3A_147 = arith.constant 0 : i32
    %dma_start3A_148 = arith.constant 0 : i32
    %dma_start3A_149 = tpu.memref_slice %arg2[%dma_start3A_147, %dma_start3A_148] : memref<1000x64xf32, #tpu.memory_space<hbm>> -> memref<1000x64xf32, #tpu.memory_space<hbm>>
    %dma_start3A_150 = tpu.memref_slice %arg9[%dma_start3A_140] : memref<8x!tpu.dma_semaphore, #tpu.memory_space<semaphore_mem>> -> memref<1x!tpu.dma_semaphore, #tpu.memory_space<semaphore_mem>>
    %dma_start3A_151 = tpu.memref_squeeze %dma_start3A_150 : memref<1x!tpu.dma_semaphore, #tpu.memory_space<semaphore_mem>> -> memref<!tpu.dma_semaphore, #tpu.memory_space<semaphore_mem>>
    tpu.enqueue_indirect_dma source(%dma_start3A_149 : memref<1000x64xf32, #tpu.memory_space<hbm>>) target(%dma_start3A_143 : memref<128x64xf32, #tpu.memory_space<vmem>>) offsets(%dma_start3A_146 : memref<128xi32, #tpu.memory_space<vmem>>) semaphore(%dma_start3A_151 : memref<!tpu.dma_semaphore, #tpu.memory_space<semaphore_mem>>) {add = true}
    %scan3A_152 = arith.constant 0 : i32
    %scan3A_153 = arith.constant 896 : i32
    %scan3A_154 = arith.constant 128 : i32
    %scan3A_155 = arith.addi %scan3A_153, %scan3A_154 : i32
    %scan3A_156 = arith.constant 1 : i32
    %scan3A_157 = scf.for %scan3A_515 = %scan3A_153 to %scan3A_155 step %scan3A_156 iter_args(%scan3A_516 = %scan3A_152) -> (i32)  : i32 {
      %swap3A = arith.index_cast %scan3A_515 : i32 to index
      %swap3A_517 = arith.constant 0 : index
      %swap3A_518 = tpu.vector_load %arg7[%swap3A, %swap3A_517] {strides = array<i32>} : memref<1024x64xf32, #tpu.memory_space<vmem>>, vector<1x16xf32>,
      %swap3A_519 = vector.shape_cast %swap3A_518 : vector<1x16xf32> to vector<16xf32>
      %swap3A_520 = vector.shape_cast %get3A_4 : vector<16xf32> to vector<1x16xf32>
      tpu.vector_store %arg7[%swap3A, %swap3A_517], %swap3A_520 {strides = array<i32>} : memref<1024x64xf32, #tpu.memory_space<vmem>>, vector<1x16xf32>,
      %swap3A_521 = arith.index_cast %scan3A_515 : i32 to index
      %swap3A_522 = arith.constant 16 : index
      %swap3A_523 = tpu.vector_load %arg7[%swap3A_521, %swap3A_522] {strides = array<i32>} : memref<1024x64xf32, #tpu.memory_space<vmem>>, vector<1x16xf32>,
      %swap3A_524 = vector.shape_cast %swap3A_523 : vector<1x16xf32> to vector<16xf32>
      %swap3A_525 = vector.shape_cast %get3A_7 : vector<16xf32> to vector<1x16xf32>
      tpu.vector_store %arg7[%swap3A_521, %swap3A_522], %swap3A_525 {strides = array<i32>} : memref<1024x64xf32, #tpu.memory_space<vmem>>, vector<1x16xf32>,
      %swap3A_526 = arith.index_cast %scan3A_515 : i32 to index
      %swap3A_527 = arith.constant 32 : index
      %swap3A_528 = tpu.vector_load %arg7[%swap3A_526, %swap3A_527] {strides = array<i32>} : memref<1024x64xf32, #tpu.memory_space<vmem>>, vector<1x16xf32>,
      %swap3A_529 = vector.shape_cast %swap3A_528 : vector<1x16xf32> to vector<16xf32>
      %swap3A_530 = vector.shape_cast %get3A_10 : vector<16xf32> to vector<1x16xf32>
      tpu.vector_store %arg7[%swap3A_526, %swap3A_527], %swap3A_530 {strides = array<i32>} : memref<1024x64xf32, #tpu.memory_space<vmem>>, vector<1x16xf32>,
      %swap3A_531 = arith.index_cast %scan3A_515 : i32 to index
      %swap3A_532 = arith.constant 48 : index
      %swap3A_533 = tpu.vector_load %arg7[%swap3A_531, %swap3A_532] {strides = array<i32>} : memref<1024x64xf32, #tpu.memory_space<vmem>>, vector<1x16xf32>,
      %swap3A_534 = vector.shape_cast %swap3A_533 : vector<1x16xf32> to vector<16xf32>
      %swap3A_535 = vector.shape_cast %get3A_13 : vector<16xf32> to vector<1x16xf32>
      tpu.vector_store %arg7[%swap3A_531, %swap3A_532], %swap3A_535 {strides = array<i32>} : memref<1024x64xf32, #tpu.memory_space<vmem>>, vector<1x16xf32>,
      %scan3A_536 = arith.constant 0 : i32
      scf.yield %scan3A_536 : i32
    }
    %scan3A_158 = arith.constant 128 : i32
    %dma_start3A_159 = arith.constant 7 : i32
    %dma_start3A_160 = arith.constant 7 : i32
    %dma_start3A_161 = arith.constant 896 : i32
    %dma_start3A_162 = arith.constant 0 : i32
    %dma_start3A_163 = tpu.memref_slice %arg7[%dma_start3A_161, %dma_start3A_162] : memref<1024x64xf32, #tpu.memory_space<vmem>> -> memref<128x64xf32, #tpu.memory_space<vmem>>
    %dma_start3A_164 = arith.constant 0 : i32
    %dma_start3A_165 = tpu.memref_slice %arg6[%dma_start3A_159, %dma_start3A_164] : memref<8x128xi32, #tpu.memory_space<vmem>> -> memref<1x128xi32, #tpu.memory_space<vmem>>
    %dma_start3A_166 = tpu.memref_squeeze %dma_start3A_165 : memref<1x128xi32, #tpu.memory_space<vmem>> -> memref<128xi32, #tpu.memory_space<vmem>>
    %dma_start3A_167 = arith.constant 0 : i32
    %dma_start3A_168 = arith.constant 0 : i32
    %dma_start3A_169 = tpu.memref_slice %arg2[%dma_start3A_167, %dma_start3A_168] : memref<1000x64xf32, #tpu.memory_space<hbm>> -> memref<1000x64xf32, #tpu.memory_space<hbm>>
    %dma_start3A_170 = tpu.memref_slice %arg9[%dma_start3A_160] : memref<8x!tpu.dma_semaphore, #tpu.memory_space<semaphore_mem>> -> memref<1x!tpu.dma_semaphore, #tpu.memory_space<semaphore_mem>>
    %dma_start3A_171 = tpu.memref_squeeze %dma_start3A_170 : memref<1x!tpu.dma_semaphore, #tpu.memory_space<semaphore_mem>> -> memref<!tpu.dma_semaphore, #tpu.memory_space<semaphore_mem>>
    tpu.enqueue_indirect_dma source(%dma_start3A_169 : memref<1000x64xf32, #tpu.memory_space<hbm>>) target(%dma_start3A_163 : memref<128x64xf32, #tpu.memory_space<vmem>>) offsets(%dma_start3A_166 : memref<128xi32, #tpu.memory_space<vmem>>) semaphore(%dma_start3A_171 : memref<!tpu.dma_semaphore, #tpu.memory_space<semaphore_mem>>) {add = true}
    %dma_wait3A = arith.constant 0 : i32
    %dma_wait3A_172 = arith.constant 0 : i32
    %dma_wait3A_173 = arith.constant 0 : i32
    %dma_wait3A_174 = arith.constant 0 : i32
    %dma_wait3A_175 = tpu.memref_slice %arg7[%dma_wait3A_173, %dma_wait3A_174] : memref<1024x64xf32, #tpu.memory_space<vmem>> -> memref<128x64xf32, #tpu.memory_space<vmem>>
    %dma_wait3A_176 = arith.constant 0 : i32
    %dma_wait3A_177 = tpu.memref_slice %arg6[%dma_wait3A, %dma_wait3A_176] : memref<8x128xi32, #tpu.memory_space<vmem>> -> memref<1x128xi32, #tpu.memory_space<vmem>>
    %dma_wait3A_178 = tpu.memref_squeeze %dma_wait3A_177 : memref<1x128xi32, #tpu.memory_space<vmem>> -> memref<128xi32, #tpu.memory_space<vmem>>
    %dma_wait3A_179 = arith.constant 0 : i32
    %dma_wait3A_180 = arith.constant 0 : i32
    %dma_wait3A_181 = tpu.memref_slice %arg2[%dma_wait3A_179, %dma_wait3A_180] : memref<1000x64xf32, #tpu.memory_space<hbm>> -> memref<1000x64xf32, #tpu.memory_space<hbm>>
    %dma_wait3A_182 = tpu.memref_slice %arg9[%dma_wait3A_172] : memref<8x!tpu.dma_semaphore, #tpu.memory_space<semaphore_mem>> -> memref<1x!tpu.dma_semaphore, #tpu.memory_space<semaphore_mem>>
    %dma_wait3A_183 = tpu.memref_squeeze %dma_wait3A_182 : memref<1x!tpu.dma_semaphore, #tpu.memory_space<semaphore_mem>> -> memref<!tpu.dma_semaphore, #tpu.memory_space<semaphore_mem>>
    tpu.wait_indirect_dma semaphore(%dma_wait3A_183 : memref<!tpu.dma_semaphore, #tpu.memory_space<semaphore_mem>>) src(%dma_wait3A_181 : memref<1000x64xf32, #tpu.memory_space<hbm>>) dst(%dma_wait3A_175 : memref<128x64xf32, #tpu.memory_space<vmem>>)
    %mul3A_184 = arith.constant 1024 : i32
    %mul3A_185 = arith.muli %add3A, %mul3A_184 : i32
    %add3A_186 = arith.constant 0 : i32
    %add3A_187 = arith.addi %mul3A_185, %add3A_186 : i32
    %dma_start3A_188 = arith.constant 0 : i32
    %dma_start3A_189 = arith.constant 0 : i32
    %dma_start3A_190 = arith.constant 0 : i32
    %dma_start3A_191 = tpu.memref_slice %arg7[%dma_start3A_189, %dma_start3A_190] : memref<1024x64xf32, #tpu.memory_space<vmem>> -> memref<128x64xf32, #tpu.memory_space<vmem>>
    %dma_start3A_192 = arith.constant 0 : i32
    %dma_start3A_193 = tpu.memref_slice %arg5[%add3A_187, %dma_start3A_192] : memref<16384x64xf32, #tpu.memory_space<hbm>> -> memref<128x64xf32, #tpu.memory_space<hbm>>
    %dma_start3A_194 = tpu.memref_slice %arg10[%dma_start3A_188] : memref<8x!tpu.dma_semaphore, #tpu.memory_space<semaphore_mem>> -> memref<1x!tpu.dma_semaphore, #tpu.memory_space<semaphore_mem>>
    %dma_start3A_195 = tpu.memref_squeeze %dma_start3A_194 : memref<1x!tpu.dma_semaphore, #tpu.memory_space<semaphore_mem>> -> memref<!tpu.dma_semaphore, #tpu.memory_space<semaphore_mem>>
    %dma_start3A_196 = arith.constant 0 : i32
    %dma_start3A_197 = tpu.memref_slice %arg5[%add3A_187, %dma_start3A_196] : memref<16384x64xf32, #tpu.memory_space<hbm>> -> memref<128x64xf32, #tpu.memory_space<hbm>>
    %dma_start3A_198 = arith.constant 0 : i32
    %dma_start3A_199 = arith.constant 0 : i32
    %dma_start3A_200 = tpu.memref_slice %arg7[%dma_start3A_198, %dma_start3A_199] : memref<1024x64xf32, #tpu.memory_space<vmem>> -> memref<128x64xf32, #tpu.memory_space<vmem>>
    tpu.enqueue_dma source(%dma_start3A_200 : memref<128x64xf32, #tpu.memory_space<vmem>>) target(%dma_start3A_197 : memref<128x64xf32, #tpu.memory_space<hbm>>) target_semaphore(%dma_start3A_195 : memref<!tpu.dma_semaphore, #tpu.memory_space<semaphore_mem>>)
    %dma_wait3A_201 = arith.constant 1 : i32
    %dma_wait3A_202 = arith.constant 1 : i32
    %dma_wait3A_203 = arith.constant 128 : i32
    %dma_wait3A_204 = arith.constant 0 : i32
    %dma_wait3A_205 = tpu.memref_slice %arg7[%dma_wait3A_203, %dma_wait3A_204] : memref<1024x64xf32, #tpu.memory_space<vmem>> -> memref<128x64xf32, #tpu.memory_space<vmem>>
    %dma_wait3A_206 = arith.constant 0 : i32
    %dma_wait3A_207 = tpu.memref_slice %arg6[%dma_wait3A_201, %dma_wait3A_206] : memref<8x128xi32, #tpu.memory_space<vmem>> -> memref<1x128xi32, #tpu.memory_space<vmem>>
    %dma_wait3A_208 = tpu.memref_squeeze %dma_wait3A_207 : memref<1x128xi32, #tpu.memory_space<vmem>> -> memref<128xi32, #tpu.memory_space<vmem>>
    %dma_wait3A_209 = arith.constant 0 : i32
    %dma_wait3A_210 = arith.constant 0 : i32
    %dma_wait3A_211 = tpu.memref_slice %arg2[%dma_wait3A_209, %dma_wait3A_210] : memref<1000x64xf32, #tpu.memory_space<hbm>> -> memref<1000x64xf32, #tpu.memory_space<hbm>>
    %dma_wait3A_212 = tpu.memref_slice %arg9[%dma_wait3A_202] : memref<8x!tpu.dma_semaphore, #tpu.memory_space<semaphore_mem>> -> memref<1x!tpu.dma_semaphore, #tpu.memory_space<semaphore_mem>>
    %dma_wait3A_213 = tpu.memref_squeeze %dma_wait3A_212 : memref<1x!tpu.dma_semaphore, #tpu.memory_space<semaphore_mem>> -> memref<!tpu.dma_semaphore, #tpu.memory_space<semaphore_mem>>
    tpu.wait_indirect_dma semaphore(%dma_wait3A_213 : memref<!tpu.dma_semaphore, #tpu.memory_space<semaphore_mem>>) src(%dma_wait3A_211 : memref<1000x64xf32, #tpu.memory_space<hbm>>) dst(%dma_wait3A_205 : memref<128x64xf32, #tpu.memory_space<vmem>>)
    %mul3A_214 = arith.constant 1024 : i32
    %mul3A_215 = arith.muli %add3A, %mul3A_214 : i32
    %add3A_216 = arith.constant 128 : i32
    %add3A_217 = arith.addi %mul3A_215, %add3A_216 : i32
    %dma_start3A_218 = arith.constant 1 : i32
    %dma_start3A_219 = arith.constant 128 : i32
    %dma_start3A_220 = arith.constant 0 : i32
    %dma_start3A_221 = tpu.memref_slice %arg7[%dma_start3A_219, %dma_start3A_220] : memref<1024x64xf32, #tpu.memory_space<vmem>> -> memref<128x64xf32, #tpu.memory_space<vmem>>
    %dma_start3A_222 = arith.constant 0 : i32
    %dma_start3A_223 = tpu.memref_slice %arg5[%add3A_217, %dma_start3A_222] : memref<16384x64xf32, #tpu.memory_space<hbm>> -> memref<128x64xf32, #tpu.memory_space<hbm>>
    %dma_start3A_224 = tpu.memref_slice %arg10[%dma_start3A_218] : memref<8x!tpu.dma_semaphore, #tpu.memory_space<semaphore_mem>> -> memref<1x!tpu.dma_semaphore, #tpu.memory_space<semaphore_mem>>
    %dma_start3A_225 = tpu.memref_squeeze %dma_start3A_224 : memref<1x!tpu.dma_semaphore, #tpu.memory_space<semaphore_mem>> -> memref<!tpu.dma_semaphore, #tpu.memory_space<semaphore_mem>>
    %dma_start3A_226 = arith.constant 0 : i32
    %dma_start3A_227 = tpu.memref_slice %arg5[%add3A_217, %dma_start3A_226] : memref<16384x64xf32, #tpu.memory_space<hbm>> -> memref<128x64xf32, #tpu.memory_space<hbm>>
    %dma_start3A_228 = arith.constant 128 : i32
    %dma_start3A_229 = arith.constant 0 : i32
    %dma_start3A_230 = tpu.memref_slice %arg7[%dma_start3A_228, %dma_start3A_229] : memref<1024x64xf32, #tpu.memory_space<vmem>> -> memref<128x64xf32, #tpu.memory_space<vmem>>
    tpu.enqueue_dma source(%dma_start3A_230 : memref<128x64xf32, #tpu.memory_space<vmem>>) target(%dma_start3A_227 : memref<128x64xf32, #tpu.memory_space<hbm>>) target_semaphore(%dma_start3A_225 : memref<!tpu.dma_semaphore, #tpu.memory_space<semaphore_mem>>)
    %dma_wait3A_231 = arith.constant 2 : i32
    %dma_wait3A_232 = arith.constant 2 : i32
    %dma_wait3A_233 = arith.constant 256 : i32
    %dma_wait3A_234 = arith.constant 0 : i32
    %dma_wait3A_235 = tpu.memref_slice %arg7[%dma_wait3A_233, %dma_wait3A_234] : memref<1024x64xf32, #tpu.memory_space<vmem>> -> memref<128x64xf32, #tpu.memory_space<vmem>>
    %dma_wait3A_236 = arith.constant 0 : i32
    %dma_wait3A_237 = tpu.memref_slice %arg6[%dma_wait3A_231, %dma_wait3A_236] : memref<8x128xi32, #tpu.memory_space<vmem>> -> memref<1x128xi32, #tpu.memory_space<vmem>>
    %dma_wait3A_238 = tpu.memref_squeeze %dma_wait3A_237 : memref<1x128xi32, #tpu.memory_space<vmem>> -> memref<128xi32, #tpu.memory_space<vmem>>
    %dma_wait3A_239 = arith.constant 0 : i32
    %dma_wait3A_240 = arith.constant 0 : i32
    %dma_wait3A_241 = tpu.memref_slice %arg2[%dma_wait3A_239, %dma_wait3A_240] : memref<1000x64xf32, #tpu.memory_space<hbm>> -> memref<1000x64xf32, #tpu.memory_space<hbm>>
    %dma_wait3A_242 = tpu.memref_slice %arg9[%dma_wait3A_232] : memref<8x!tpu.dma_semaphore, #tpu.memory_space<semaphore_mem>> -> memref<1x!tpu.dma_semaphore, #tpu.memory_space<semaphore_mem>>
    %dma_wait3A_243 = tpu.memref_squeeze %dma_wait3A_242 : memref<1x!tpu.dma_semaphore, #tpu.memory_space<semaphore_mem>> -> memref<!tpu.dma_semaphore, #tpu.memory_space<semaphore_mem>>
    tpu.wait_indirect_dma semaphore(%dma_wait3A_243 : memref<!tpu.dma_semaphore, #tpu.memory_space<semaphore_mem>>) src(%dma_wait3A_241 : memref<1000x64xf32, #tpu.memory_space<hbm>>) dst(%dma_wait3A_235 : memref<128x64xf32, #tpu.memory_space<vmem>>)
    %mul3A_244 = arith.constant 1024 : i32
    %mul3A_245 = arith.muli %add3A, %mul3A_244 : i32
    %add3A_246 = arith.constant 256 : i32
    %add3A_247 = arith.addi %mul3A_245, %add3A_246 : i32
    %dma_start3A_248 = arith.constant 2 : i32
    %dma_start3A_249 = arith.constant 256 : i32
    %dma_start3A_250 = arith.constant 0 : i32
    %dma_start3A_251 = tpu.memref_slice %arg7[%dma_start3A_249, %dma_start3A_250] : memref<1024x64xf32, #tpu.memory_space<vmem>> -> memref<128x64xf32, #tpu.memory_space<vmem>>
    %dma_start3A_252 = arith.constant 0 : i32
    %dma_start3A_253 = tpu.memref_slice %arg5[%add3A_247, %dma_start3A_252] : memref<16384x64xf32, #tpu.memory_space<hbm>> -> memref<128x64xf32, #tpu.memory_space<hbm>>
    %dma_start3A_254 = tpu.memref_slice %arg10[%dma_start3A_248] : memref<8x!tpu.dma_semaphore, #tpu.memory_space<semaphore_mem>> -> memref<1x!tpu.dma_semaphore, #tpu.memory_space<semaphore_mem>>
    %dma_start3A_255 = tpu.memref_squeeze %dma_start3A_254 : memref<1x!tpu.dma_semaphore, #tpu.memory_space<semaphore_mem>> -> memref<!tpu.dma_semaphore, #tpu.memory_space<semaphore_mem>>
    %dma_start3A_256 = arith.constant 0 : i32
    %dma_start3A_257 = tpu.memref_slice %arg5[%add3A_247, %dma_start3A_256] : memref<16384x64xf32, #tpu.memory_space<hbm>> -> memref<128x64xf32, #tpu.memory_space<hbm>>
    %dma_start3A_258 = arith.constant 256 : i32
    %dma_start3A_259 = arith.constant 0 : i32
    %dma_start3A_260 = tpu.memref_slice %arg7[%dma_start3A_258, %dma_start3A_259] : memref<1024x64xf32, #tpu.memory_space<vmem>> -> memref<128x64xf32, #tpu.memory_space<vmem>>
    tpu.enqueue_dma source(%dma_start3A_260 : memref<128x64xf32, #tpu.memory_space<vmem>>) target(%dma_start3A_257 : memref<128x64xf32, #tpu.memory_space<hbm>>) target_semaphore(%dma_start3A_255 : memref<!tpu.dma_semaphore, #tpu.memory_space<semaphore_mem>>)
    %dma_wait3A_261 = arith.constant 3 : i32
    %dma_wait3A_262 = arith.constant 3 : i32
    %dma_wait3A_263 = arith.constant 384 : i32
    %dma_wait3A_264 = arith.constant 0 : i32
    %dma_wait3A_265 = tpu.memref_slice %arg7[%dma_wait3A_263, %dma_wait3A_264] : memref<1024x64xf32, #tpu.memory_space<vmem>> -> memref<128x64xf32, #tpu.memory_space<vmem>>
    %dma_wait3A_266 = arith.constant 0 : i32
    %dma_wait3A_267 = tpu.memref_slice %arg6[%dma_wait3A_261, %dma_wait3A_266] : memref<8x128xi32, #tpu.memory_space<vmem>> -> memref<1x128xi32, #tpu.memory_space<vmem>>
    %dma_wait3A_268 = tpu.memref_squeeze %dma_wait3A_267 : memref<1x128xi32, #tpu.memory_space<vmem>> -> memref<128xi32, #tpu.memory_space<vmem>>
    %dma_wait3A_269 = arith.constant 0 : i32
    %dma_wait3A_270 = arith.constant 0 : i32
    %dma_wait3A_271 = tpu.memref_slice %arg2[%dma_wait3A_269, %dma_wait3A_270] : memref<1000x64xf32, #tpu.memory_space<hbm>> -> memref<1000x64xf32, #tpu.memory_space<hbm>>
    %dma_wait3A_272 = tpu.memref_slice %arg9[%dma_wait3A_262] : memref<8x!tpu.dma_semaphore, #tpu.memory_space<semaphore_mem>> -> memref<1x!tpu.dma_semaphore, #tpu.memory_space<semaphore_mem>>
    %dma_wait3A_273 = tpu.memref_squeeze %dma_wait3A_272 : memref<1x!tpu.dma_semaphore, #tpu.memory_space<semaphore_mem>> -> memref<!tpu.dma_semaphore, #tpu.memory_space<semaphore_mem>>
    tpu.wait_indirect_dma semaphore(%dma_wait3A_273 : memref<!tpu.dma_semaphore, #tpu.memory_space<semaphore_mem>>) src(%dma_wait3A_271 : memref<1000x64xf32, #tpu.memory_space<hbm>>) dst(%dma_wait3A_265 : memref<128x64xf32, #tpu.memory_space<vmem>>)
    %mul3A_274 = arith.constant 1024 : i32
    %mul3A_275 = arith.muli %add3A, %mul3A_274 : i32
    %add3A_276 = arith.constant 384 : i32
    %add3A_277 = arith.addi %mul3A_275, %add3A_276 : i32
    %dma_start3A_278 = arith.constant 3 : i32
    %dma_start3A_279 = arith.constant 384 : i32
    %dma_start3A_280 = arith.constant 0 : i32
    %dma_start3A_281 = tpu.memref_slice %arg7[%dma_start3A_279, %dma_start3A_280] : memref<1024x64xf32, #tpu.memory_space<vmem>> -> memref<128x64xf32, #tpu.memory_space<vmem>>
    %dma_start3A_282 = arith.constant 0 : i32
    %dma_start3A_283 = tpu.memref_slice %arg5[%add3A_277, %dma_start3A_282] : memref<16384x64xf32, #tpu.memory_space<hbm>> -> memref<128x64xf32, #tpu.memory_space<hbm>>
    %dma_start3A_284 = tpu.memref_slice %arg10[%dma_start3A_278] : memref<8x!tpu.dma_semaphore, #tpu.memory_space<semaphore_mem>> -> memref<1x!tpu.dma_semaphore, #tpu.memory_space<semaphore_mem>>
    %dma_start3A_285 = tpu.memref_squeeze %dma_start3A_284 : memref<1x!tpu.dma_semaphore, #tpu.memory_space<semaphore_mem>> -> memref<!tpu.dma_semaphore, #tpu.memory_space<semaphore_mem>>
    %dma_start3A_286 = arith.constant 0 : i32
    %dma_start3A_287 = tpu.memref_slice %arg5[%add3A_277, %dma_start3A_286] : memref<16384x64xf32, #tpu.memory_space<hbm>> -> memref<128x64xf32, #tpu.memory_space<hbm>>
    %dma_start3A_288 = arith.constant 384 : i32
    %dma_start3A_289 = arith.constant 0 : i32
    %dma_start3A_290 = tpu.memref_slice %arg7[%dma_start3A_288, %dma_start3A_289] : memref<1024x64xf32, #tpu.memory_space<vmem>> -> memref<128x64xf32, #tpu.memory_space<vmem>>
    tpu.enqueue_dma source(%dma_start3A_290 : memref<128x64xf32, #tpu.memory_space<vmem>>) target(%dma_start3A_287 : memref<128x64xf32, #tpu.memory_space<hbm>>) target_semaphore(%dma_start3A_285 : memref<!tpu.dma_semaphore, #tpu.memory_space<semaphore_mem>>)
    %dma_wait3A_291 = arith.constant 4 : i32
    %dma_wait3A_292 = arith.constant 4 : i32
    %dma_wait3A_293 = arith.constant 512 : i32
    %dma_wait3A_294 = arith.constant 0 : i32
    %dma_wait3A_295 = tpu.memref_slice %arg7[%dma_wait3A_293, %dma_wait3A_294] : memref<1024x64xf32, #tpu.memory_space<vmem>> -> memref<128x64xf32, #tpu.memory_space<vmem>>
    %dma_wait3A_296 = arith.constant 0 : i32
    %dma_wait3A_297 = tpu.memref_slice %arg6[%dma_wait3A_291, %dma_wait3A_296] : memref<8x128xi32, #tpu.memory_space<vmem>> -> memref<1x128xi32, #tpu.memory_space<vmem>>
    %dma_wait3A_298 = tpu.memref_squeeze %dma_wait3A_297 : memref<1x128xi32, #tpu.memory_space<vmem>> -> memref<128xi32, #tpu.memory_space<vmem>>
    %dma_wait3A_299 = arith.constant 0 : i32
    %dma_wait3A_300 = arith.constant 0 : i32
    %dma_wait3A_301 = tpu.memref_slice %arg2[%dma_wait3A_299, %dma_wait3A_300] : memref<1000x64xf32, #tpu.memory_space<hbm>> -> memref<1000x64xf32, #tpu.memory_space<hbm>>
    %dma_wait3A_302 = tpu.memref_slice %arg9[%dma_wait3A_292] : memref<8x!tpu.dma_semaphore, #tpu.memory_space<semaphore_mem>> -> memref<1x!tpu.dma_semaphore, #tpu.memory_space<semaphore_mem>>
    %dma_wait3A_303 = tpu.memref_squeeze %dma_wait3A_302 : memref<1x!tpu.dma_semaphore, #tpu.memory_space<semaphore_mem>> -> memref<!tpu.dma_semaphore, #tpu.memory_space<semaphore_mem>>
    tpu.wait_indirect_dma semaphore(%dma_wait3A_303 : memref<!tpu.dma_semaphore, #tpu.memory_space<semaphore_mem>>) src(%dma_wait3A_301 : memref<1000x64xf32, #tpu.memory_space<hbm>>) dst(%dma_wait3A_295 : memref<128x64xf32, #tpu.memory_space<vmem>>)
    %mul3A_304 = arith.constant 1024 : i32
    %mul3A_305 = arith.muli %add3A, %mul3A_304 : i32
    %add3A_306 = arith.constant 512 : i32
    %add3A_307 = arith.addi %mul3A_305, %add3A_306 : i32
    %dma_start3A_308 = arith.constant 4 : i32
    %dma_start3A_309 = arith.constant 512 : i32
    %dma_start3A_310 = arith.constant 0 : i32
    %dma_start3A_311 = tpu.memref_slice %arg7[%dma_start3A_309, %dma_start3A_310] : memref<1024x64xf32, #tpu.memory_space<vmem>> -> memref<128x64xf32, #tpu.memory_space<vmem>>
    %dma_start3A_312 = arith.constant 0 : i32
    %dma_start3A_313 = tpu.memref_slice %arg5[%add3A_307, %dma_start3A_312] : memref<16384x64xf32, #tpu.memory_space<hbm>> -> memref<128x64xf32, #tpu.memory_space<hbm>>
    %dma_start3A_314 = tpu.memref_slice %arg10[%dma_start3A_308] : memref<8x!tpu.dma_semaphore, #tpu.memory_space<semaphore_mem>> -> memref<1x!tpu.dma_semaphore, #tpu.memory_space<semaphore_mem>>
    %dma_start3A_315 = tpu.memref_squeeze %dma_start3A_314 : memref<1x!tpu.dma_semaphore, #tpu.memory_space<semaphore_mem>> -> memref<!tpu.dma_semaphore, #tpu.memory_space<semaphore_mem>>
    %dma_start3A_316 = arith.constant 0 : i32
    %dma_start3A_317 = tpu.memref_slice %arg5[%add3A_307, %dma_start3A_316] : memref<16384x64xf32, #tpu.memory_space<hbm>> -> memref<128x64xf32, #tpu.memory_space<hbm>>
    %dma_start3A_318 = arith.constant 512 : i32
    %dma_start3A_319 = arith.constant 0 : i32
    %dma_start3A_320 = tpu.memref_slice %arg7[%dma_start3A_318, %dma_start3A_319] : memref<1024x64xf32, #tpu.memory_space<vmem>> -> memref<128x64xf32, #tpu.memory_space<vmem>>
    tpu.enqueue_dma source(%dma_start3A_320 : memref<128x64xf32, #tpu.memory_space<vmem>>) target(%dma_start3A_317 : memref<128x64xf32, #tpu.memory_space<hbm>>) target_semaphore(%dma_start3A_315 : memref<!tpu.dma_semaphore, #tpu.memory_space<semaphore_mem>>)
    %dma_wait3A_321 = arith.constant 5 : i32
    %dma_wait3A_322 = arith.constant 5 : i32
    %dma_wait3A_323 = arith.constant 640 : i32
    %dma_wait3A_324 = arith.constant 0 : i32
    %dma_wait3A_325 = tpu.memref_slice %arg7[%dma_wait3A_323, %dma_wait3A_324] : memref<1024x64xf32, #tpu.memory_space<vmem>> -> memref<128x64xf32, #tpu.memory_space<vmem>>
    %dma_wait3A_326 = arith.constant 0 : i32
    %dma_wait3A_327 = tpu.memref_slice %arg6[%dma_wait3A_321, %dma_wait3A_326] : memref<8x128xi32, #tpu.memory_space<vmem>> -> memref<1x128xi32, #tpu.memory_space<vmem>>
    %dma_wait3A_328 = tpu.memref_squeeze %dma_wait3A_327 : memref<1x128xi32, #tpu.memory_space<vmem>> -> memref<128xi32, #tpu.memory_space<vmem>>
    %dma_wait3A_329 = arith.constant 0 : i32
    %dma_wait3A_330 = arith.constant 0 : i32
    %dma_wait3A_331 = tpu.memref_slice %arg2[%dma_wait3A_329, %dma_wait3A_330] : memref<1000x64xf32, #tpu.memory_space<hbm>> -> memref<1000x64xf32, #tpu.memory_space<hbm>>
    %dma_wait3A_332 = tpu.memref_slice %arg9[%dma_wait3A_322] : memref<8x!tpu.dma_semaphore, #tpu.memory_space<semaphore_mem>> -> memref<1x!tpu.dma_semaphore, #tpu.memory_space<semaphore_mem>>
    %dma_wait3A_333 = tpu.memref_squeeze %dma_wait3A_332 : memref<1x!tpu.dma_semaphore, #tpu.memory_space<semaphore_mem>> -> memref<!tpu.dma_semaphore, #tpu.memory_space<semaphore_mem>>
    tpu.wait_indirect_dma semaphore(%dma_wait3A_333 : memref<!tpu.dma_semaphore, #tpu.memory_space<semaphore_mem>>) src(%dma_wait3A_331 : memref<1000x64xf32, #tpu.memory_space<hbm>>) dst(%dma_wait3A_325 : memref<128x64xf32, #tpu.memory_space<vmem>>)
    %mul3A_334 = arith.constant 1024 : i32
    %mul3A_335 = arith.muli %add3A, %mul3A_334 : i32
    %add3A_336 = arith.constant 640 : i32
    %add3A_337 = arith.addi %mul3A_335, %add3A_336 : i32
    %dma_start3A_338 = arith.constant 5 : i32
    %dma_start3A_339 = arith.constant 640 : i32
    %dma_start3A_340 = arith.constant 0 : i32
    %dma_start3A_341 = tpu.memref_slice %arg7[%dma_start3A_339, %dma_start3A_340] : memref<1024x64xf32, #tpu.memory_space<vmem>> -> memref<128x64xf32, #tpu.memory_space<vmem>>
    %dma_start3A_342 = arith.constant 0 : i32
    %dma_start3A_343 = tpu.memref_slice %arg5[%add3A_337, %dma_start3A_342] : memref<16384x64xf32, #tpu.memory_space<hbm>> -> memref<128x64xf32, #tpu.memory_space<hbm>>
    %dma_start3A_344 = tpu.memref_slice %arg10[%dma_start3A_338] : memref<8x!tpu.dma_semaphore, #tpu.memory_space<semaphore_mem>> -> memref<1x!tpu.dma_semaphore, #tpu.memory_space<semaphore_mem>>
    %dma_start3A_345 = tpu.memref_squeeze %dma_start3A_344 : memref<1x!tpu.dma_semaphore, #tpu.memory_space<semaphore_mem>> -> memref<!tpu.dma_semaphore, #tpu.memory_space<semaphore_mem>>
    %dma_start3A_346 = arith.constant 0 : i32
    %dma_start3A_347 = tpu.memref_slice %arg5[%add3A_337, %dma_start3A_346] : memref<16384x64xf32, #tpu.memory_space<hbm>> -> memref<128x64xf32, #tpu.memory_space<hbm>>
    %dma_start3A_348 = arith.constant 640 : i32
    %dma_start3A_349 = arith.constant 0 : i32
    %dma_start3A_350 = tpu.memref_slice %arg7[%dma_start3A_348, %dma_start3A_349] : memref<1024x64xf32, #tpu.memory_space<vmem>> -> memref<128x64xf32, #tpu.memory_space<vmem>>
    tpu.enqueue_dma source(%dma_start3A_350 : memref<128x64xf32, #tpu.memory_space<vmem>>) target(%dma_start3A_347 : memref<128x64xf32, #tpu.memory_space<hbm>>) target_semaphore(%dma_start3A_345 : memref<!tpu.dma_semaphore, #tpu.memory_space<semaphore_mem>>)
    %dma_wait3A_351 = arith.constant 6 : i32
    %dma_wait3A_352 = arith.constant 6 : i32
    %dma_wait3A_353 = arith.constant 768 : i32
    %dma_wait3A_354 = arith.constant 0 : i32
    %dma_wait3A_355 = tpu.memref_slice %arg7[%dma_wait3A_353, %dma_wait3A_354] : memref<1024x64xf32, #tpu.memory_space<vmem>> -> memref<128x64xf32, #tpu.memory_space<vmem>>
    %dma_wait3A_356 = arith.constant 0 : i32
    %dma_wait3A_357 = tpu.memref_slice %arg6[%dma_wait3A_351, %dma_wait3A_356] : memref<8x128xi32, #tpu.memory_space<vmem>> -> memref<1x128xi32, #tpu.memory_space<vmem>>
    %dma_wait3A_358 = tpu.memref_squeeze %dma_wait3A_357 : memref<1x128xi32, #tpu.memory_space<vmem>> -> memref<128xi32, #tpu.memory_space<vmem>>
    %dma_wait3A_359 = arith.constant 0 : i32
    %dma_wait3A_360 = arith.constant 0 : i32
    %dma_wait3A_361 = tpu.memref_slice %arg2[%dma_wait3A_359, %dma_wait3A_360] : memref<1000x64xf32, #tpu.memory_space<hbm>> -> memref<1000x64xf32, #tpu.memory_space<hbm>>
    %dma_wait3A_362 = tpu.memref_slice %arg9[%dma_wait3A_352] : memref<8x!tpu.dma_semaphore, #tpu.memory_space<semaphore_mem>> -> memref<1x!tpu.dma_semaphore, #tpu.memory_space<semaphore_mem>>
    %dma_wait3A_363 = tpu.memref_squeeze %dma_wait3A_362 : memref<1x!tpu.dma_semaphore, #tpu.memory_space<semaphore_mem>> -> memref<!tpu.dma_semaphore, #tpu.memory_space<semaphore_mem>>
    tpu.wait_indirect_dma semaphore(%dma_wait3A_363 : memref<!tpu.dma_semaphore, #tpu.memory_space<semaphore_mem>>) src(%dma_wait3A_361 : memref<1000x64xf32, #tpu.memory_space<hbm>>) dst(%dma_wait3A_355 : memref<128x64xf32, #tpu.memory_space<vmem>>)
    %mul3A_364 = arith.constant 1024 : i32
    %mul3A_365 = arith.muli %add3A, %mul3A_364 : i32
    %add3A_366 = arith.constant 768 : i32
    %add3A_367 = arith.addi %mul3A_365, %add3A_366 : i32
    %dma_start3A_368 = arith.constant 6 : i32
    %dma_start3A_369 = arith.constant 768 : i32
    %dma_start3A_370 = arith.constant 0 : i32
    %dma_start3A_371 = tpu.memref_slice %arg7[%dma_start3A_369, %dma_start3A_370] : memref<1024x64xf32, #tpu.memory_space<vmem>> -> memref<128x64xf32, #tpu.memory_space<vmem>>
    %dma_start3A_372 = arith.constant 0 : i32
    %dma_start3A_373 = tpu.memref_slice %arg5[%add3A_367, %dma_start3A_372] : memref<16384x64xf32, #tpu.memory_space<hbm>> -> memref<128x64xf32, #tpu.memory_space<hbm>>
    %dma_start3A_374 = tpu.memref_slice %arg10[%dma_start3A_368] : memref<8x!tpu.dma_semaphore, #tpu.memory_space<semaphore_mem>> -> memref<1x!tpu.dma_semaphore, #tpu.memory_space<semaphore_mem>>
    %dma_start3A_375 = tpu.memref_squeeze %dma_start3A_374 : memref<1x!tpu.dma_semaphore, #tpu.memory_space<semaphore_mem>> -> memref<!tpu.dma_semaphore, #tpu.memory_space<semaphore_mem>>
    %dma_start3A_376 = arith.constant 0 : i32
    %dma_start3A_377 = tpu.memref_slice %arg5[%add3A_367, %dma_start3A_376] : memref<16384x64xf32, #tpu.memory_space<hbm>> -> memref<128x64xf32, #tpu.memory_space<hbm>>
    %dma_start3A_378 = arith.constant 768 : i32
    %dma_start3A_379 = arith.constant 0 : i32
    %dma_start3A_380 = tpu.memref_slice %arg7[%dma_start3A_378, %dma_start3A_379] : memref<1024x64xf32, #tpu.memory_space<vmem>> -> memref<128x64xf32, #tpu.memory_space<vmem>>
    tpu.enqueue_dma source(%dma_start3A_380 : memref<128x64xf32, #tpu.memory_space<vmem>>) target(%dma_start3A_377 : memref<128x64xf32, #tpu.memory_space<hbm>>) target_semaphore(%dma_start3A_375 : memref<!tpu.dma_semaphore, #tpu.memory_space<semaphore_mem>>)
    %dma_wait3A_381 = arith.constant 7 : i32
    %dma_wait3A_382 = arith.constant 7 : i32
    %dma_wait3A_383 = arith.constant 896 : i32
    %dma_wait3A_384 = arith.constant 0 : i32
    %dma_wait3A_385 = tpu.memref_slice %arg7[%dma_wait3A_383, %dma_wait3A_384] : memref<1024x64xf32, #tpu.memory_space<vmem>> -> memref<128x64xf32, #tpu.memory_space<vmem>>
    %dma_wait3A_386 = arith.constant 0 : i32
    %dma_wait3A_387 = tpu.memref_slice %arg6[%dma_wait3A_381, %dma_wait3A_386] : memref<8x128xi32, #tpu.memory_space<vmem>> -> memref<1x128xi32, #tpu.memory_space<vmem>>
    %dma_wait3A_388 = tpu.memref_squeeze %dma_wait3A_387 : memref<1x128xi32, #tpu.memory_space<vmem>> -> memref<128xi32, #tpu.memory_space<vmem>>
    %dma_wait3A_389 = arith.constant 0 : i32
    %dma_wait3A_390 = arith.constant 0 : i32
    %dma_wait3A_391 = tpu.memref_slice %arg2[%dma_wait3A_389, %dma_wait3A_390] : memref<1000x64xf32, #tpu.memory_space<hbm>> -> memref<1000x64xf32, #tpu.memory_space<hbm>>
    %dma_wait3A_392 = tpu.memref_slice %arg9[%dma_wait3A_382] : memref<8x!tpu.dma_semaphore, #tpu.memory_space<semaphore_mem>> -> memref<1x!tpu.dma_semaphore, #tpu.memory_space<semaphore_mem>>
    %dma_wait3A_393 = tpu.memref_squeeze %dma_wait3A_392 : memref<1x!tpu.dma_semaphore, #tpu.memory_space<semaphore_mem>> -> memref<!tpu.dma_semaphore, #tpu.memory_space<semaphore_mem>>
    tpu.wait_indirect_dma semaphore(%dma_wait3A_393 : memref<!tpu.dma_semaphore, #tpu.memory_space<semaphore_mem>>) src(%dma_wait3A_391 : memref<1000x64xf32, #tpu.memory_space<hbm>>) dst(%dma_wait3A_385 : memref<128x64xf32, #tpu.memory_space<vmem>>)
    %mul3A_394 = arith.constant 1024 : i32
    %mul3A_395 = arith.muli %add3A, %mul3A_394 : i32
    %add3A_396 = arith.constant 896 : i32
    %add3A_397 = arith.addi %mul3A_395, %add3A_396 : i32
    %dma_start3A_398 = arith.constant 7 : i32
    %dma_start3A_399 = arith.constant 896 : i32
    %dma_start3A_400 = arith.constant 0 : i32
    %dma_start3A_401 = tpu.memref_slice %arg7[%dma_start3A_399, %dma_start3A_400] : memref<1024x64xf32, #tpu.memory_space<vmem>> -> memref<128x64xf32, #tpu.memory_space<vmem>>
    %dma_start3A_402 = arith.constant 0 : i32
    %dma_start3A_403 = tpu.memref_slice %arg5[%add3A_397, %dma_start3A_402] : memref<16384x64xf32, #tpu.memory_space<hbm>> -> memref<128x64xf32, #tpu.memory_space<hbm>>
    %dma_start3A_404 = tpu.memref_slice %arg10[%dma_start3A_398] : memref<8x!tpu.dma_semaphore, #tpu.memory_space<semaphore_mem>> -> memref<1x!tpu.dma_semaphore, #tpu.memory_space<semaphore_mem>>
    %dma_start3A_405 = tpu.memref_squeeze %dma_start3A_404 : memref<1x!tpu.dma_semaphore, #tpu.memory_space<semaphore_mem>> -> memref<!tpu.dma_semaphore, #tpu.memory_space<semaphore_mem>>
    %dma_start3A_406 = arith.constant 0 : i32
    %dma_start3A_407 = tpu.memref_slice %arg5[%add3A_397, %dma_start3A_406] : memref<16384x64xf32, #tpu.memory_space<hbm>> -> memref<128x64xf32, #tpu.memory_space<hbm>>
    %dma_start3A_408 = arith.constant 896 : i32
    %dma_start3A_409 = arith.constant 0 : i32
    %dma_start3A_410 = tpu.memref_slice %arg7[%dma_start3A_408, %dma_start3A_409] : memref<1024x64xf32, #tpu.memory_space<vmem>> -> memref<128x64xf32, #tpu.memory_space<vmem>>
    tpu.enqueue_dma source(%dma_start3A_410 : memref<128x64xf32, #tpu.memory_space<vmem>>) target(%dma_start3A_407 : memref<128x64xf32, #tpu.memory_space<hbm>>) target_semaphore(%dma_start3A_405 : memref<!tpu.dma_semaphore, #tpu.memory_space<semaphore_mem>>)
    %dma_wait3A_411 = arith.constant 0 : i32
    %dma_wait3A_412 = arith.constant 0 : i32
    %dma_wait3A_413 = arith.constant 0 : i32
    %dma_wait3A_414 = tpu.memref_slice %arg7[%dma_wait3A_412, %dma_wait3A_413] : memref<1024x64xf32, #tpu.memory_space<vmem>> -> memref<128x64xf32, #tpu.memory_space<vmem>>
    %dma_wait3A_415 = arith.constant 0 : i32
    %dma_wait3A_416 = tpu.memref_slice %arg5[%add3A_187, %dma_wait3A_415] : memref<16384x64xf32, #tpu.memory_space<hbm>> -> memref<128x64xf32, #tpu.memory_space<hbm>>
    %dma_wait3A_417 = tpu.memref_slice %arg10[%dma_wait3A_411] : memref<8x!tpu.dma_semaphore, #tpu.memory_space<semaphore_mem>> -> memref<1x!tpu.dma_semaphore, #tpu.memory_space<semaphore_mem>>
    %dma_wait3A_418 = tpu.memref_squeeze %dma_wait3A_417 : memref<1x!tpu.dma_semaphore, #tpu.memory_space<semaphore_mem>> -> memref<!tpu.dma_semaphore, #tpu.memory_space<semaphore_mem>>
    %dma_wait3A_419 = arith.constant 0 : i32
    %dma_wait3A_420 = tpu.memref_slice %arg5[%add3A_187, %dma_wait3A_419] : memref<16384x64xf32, #tpu.memory_space<hbm>> -> memref<128x64xf32, #tpu.memory_space<hbm>>
    %dma_wait3A_421 = arith.constant 0 : i32
    %dma_wait3A_422 = arith.constant 0 : i32
    %dma_wait3A_423 = tpu.memref_slice %arg7[%dma_wait3A_421, %dma_wait3A_422] : memref<1024x64xf32, #tpu.memory_space<vmem>> -> memref<128x64xf32, #tpu.memory_space<vmem>>
    tpu.wait_dma2 semaphore(%dma_wait3A_418 : memref<!tpu.dma_semaphore, #tpu.memory_space<semaphore_mem>>) src(%dma_wait3A_423 : memref<128x64xf32, #tpu.memory_space<vmem>>) dst(%dma_wait3A_420 : memref<128x64xf32, #tpu.memory_space<hbm>>)
    %dma_wait3A_424 = arith.constant 1 : i32
    %dma_wait3A_425 = arith.constant 128 : i32
    %dma_wait3A_426 = arith.constant 0 : i32
    %dma_wait3A_427 = tpu.memref_slice %arg7[%dma_wait3A_425, %dma_wait3A_426] : memref<1024x64xf32, #tpu.memory_space<vmem>> -> memref<128x64xf32, #tpu.memory_space<vmem>>
    %dma_wait3A_428 = arith.constant 0 : i32
    %dma_wait3A_429 = tpu.memref_slice %arg5[%add3A_217, %dma_wait3A_428] : memref<16384x64xf32, #tpu.memory_space<hbm>> -> memref<128x64xf32, #tpu.memory_space<hbm>>
    %dma_wait3A_430 = tpu.memref_slice %arg10[%dma_wait3A_424] : memref<8x!tpu.dma_semaphore, #tpu.memory_space<semaphore_mem>> -> memref<1x!tpu.dma_semaphore, #tpu.memory_space<semaphore_mem>>
    %dma_wait3A_431 = tpu.memref_squeeze %dma_wait3A_430 : memref<1x!tpu.dma_semaphore, #tpu.memory_space<semaphore_mem>> -> memref<!tpu.dma_semaphore, #tpu.memory_space<semaphore_mem>>
    %dma_wait3A_432 = arith.constant 0 : i32
    %dma_wait3A_433 = tpu.memref_slice %arg5[%add3A_217, %dma_wait3A_432] : memref<16384x64xf32, #tpu.memory_space<hbm>> -> memref<128x64xf32, #tpu.memory_space<hbm>>
    %dma_wait3A_434 = arith.constant 128 : i32
    %dma_wait3A_435 = arith.constant 0 : i32
    %dma_wait3A_436 = tpu.memref_slice %arg7[%dma_wait3A_434, %dma_wait3A_435] : memref<1024x64xf32, #tpu.memory_space<vmem>> -> memref<128x64xf32, #tpu.memory_space<vmem>>
    tpu.wait_dma2 semaphore(%dma_wait3A_431 : memref<!tpu.dma_semaphore, #tpu.memory_space<semaphore_mem>>) src(%dma_wait3A_436 : memref<128x64xf32, #tpu.memory_space<vmem>>) dst(%dma_wait3A_433 : memref<128x64xf32, #tpu.memory_space<hbm>>)
    %dma_wait3A_437 = arith.constant 2 : i32
    %dma_wait3A_438 = arith.constant 256 : i32
    %dma_wait3A_439 = arith.constant 0 : i32
    %dma_wait3A_440 = tpu.memref_slice %arg7[%dma_wait3A_438, %dma_wait3A_439] : memref<1024x64xf32, #tpu.memory_space<vmem>> -> memref<128x64xf32, #tpu.memory_space<vmem>>
    %dma_wait3A_441 = arith.constant 0 : i32
    %dma_wait3A_442 = tpu.memref_slice %arg5[%add3A_247, %dma_wait3A_441] : memref<16384x64xf32, #tpu.memory_space<hbm>> -> memref<128x64xf32, #tpu.memory_space<hbm>>
    %dma_wait3A_443 = tpu.memref_slice %arg10[%dma_wait3A_437] : memref<8x!tpu.dma_semaphore, #tpu.memory_space<semaphore_mem>> -> memref<1x!tpu.dma_semaphore, #tpu.memory_space<semaphore_mem>>
    %dma_wait3A_444 = tpu.memref_squeeze %dma_wait3A_443 : memref<1x!tpu.dma_semaphore, #tpu.memory_space<semaphore_mem>> -> memref<!tpu.dma_semaphore, #tpu.memory_space<semaphore_mem>>
    %dma_wait3A_445 = arith.constant 0 : i32
    %dma_wait3A_446 = tpu.memref_slice %arg5[%add3A_247, %dma_wait3A_445] : memref<16384x64xf32, #tpu.memory_space<hbm>> -> memref<128x64xf32, #tpu.memory_space<hbm>>
    %dma_wait3A_447 = arith.constant 256 : i32
    %dma_wait3A_448 = arith.constant 0 : i32
    %dma_wait3A_449 = tpu.memref_slice %arg7[%dma_wait3A_447, %dma_wait3A_448] : memref<1024x64xf32, #tpu.memory_space<vmem>> -> memref<128x64xf32, #tpu.memory_space<vmem>>
    tpu.wait_dma2 semaphore(%dma_wait3A_444 : memref<!tpu.dma_semaphore, #tpu.memory_space<semaphore_mem>>) src(%dma_wait3A_449 : memref<128x64xf32, #tpu.memory_space<vmem>>) dst(%dma_wait3A_446 : memref<128x64xf32, #tpu.memory_space<hbm>>)
    %dma_wait3A_450 = arith.constant 3 : i32
    %dma_wait3A_451 = arith.constant 384 : i32
    %dma_wait3A_452 = arith.constant 0 : i32
    %dma_wait3A_453 = tpu.memref_slice %arg7[%dma_wait3A_451, %dma_wait3A_452] : memref<1024x64xf32, #tpu.memory_space<vmem>> -> memref<128x64xf32, #tpu.memory_space<vmem>>
    %dma_wait3A_454 = arith.constant 0 : i32
    %dma_wait3A_455 = tpu.memref_slice %arg5[%add3A_277, %dma_wait3A_454] : memref<16384x64xf32, #tpu.memory_space<hbm>> -> memref<128x64xf32, #tpu.memory_space<hbm>>
    %dma_wait3A_456 = tpu.memref_slice %arg10[%dma_wait3A_450] : memref<8x!tpu.dma_semaphore, #tpu.memory_space<semaphore_mem>> -> memref<1x!tpu.dma_semaphore, #tpu.memory_space<semaphore_mem>>
    %dma_wait3A_457 = tpu.memref_squeeze %dma_wait3A_456 : memref<1x!tpu.dma_semaphore, #tpu.memory_space<semaphore_mem>> -> memref<!tpu.dma_semaphore, #tpu.memory_space<semaphore_mem>>
    %dma_wait3A_458 = arith.constant 0 : i32
    %dma_wait3A_459 = tpu.memref_slice %arg5[%add3A_277, %dma_wait3A_458] : memref<16384x64xf32, #tpu.memory_space<hbm>> -> memref<128x64xf32, #tpu.memory_space<hbm>>
    %dma_wait3A_460 = arith.constant 384 : i32
    %dma_wait3A_461 = arith.constant 0 : i32
    %dma_wait3A_462 = tpu.memref_slice %arg7[%dma_wait3A_460, %dma_wait3A_461] : memref<1024x64xf32, #tpu.memory_space<vmem>> -> memref<128x64xf32, #tpu.memory_space<vmem>>
    tpu.wait_dma2 semaphore(%dma_wait3A_457 : memref<!tpu.dma_semaphore, #tpu.memory_space<semaphore_mem>>) src(%dma_wait3A_462 : memref<128x64xf32, #tpu.memory_space<vmem>>) dst(%dma_wait3A_459 : memref<128x64xf32, #tpu.memory_space<hbm>>)
    %dma_wait3A_463 = arith.constant 4 : i32
    %dma_wait3A_464 = arith.constant 512 : i32
    %dma_wait3A_465 = arith.constant 0 : i32
    %dma_wait3A_466 = tpu.memref_slice %arg7[%dma_wait3A_464, %dma_wait3A_465] : memref<1024x64xf32, #tpu.memory_space<vmem>> -> memref<128x64xf32, #tpu.memory_space<vmem>>
    %dma_wait3A_467 = arith.constant 0 : i32
    %dma_wait3A_468 = tpu.memref_slice %arg5[%add3A_307, %dma_wait3A_467] : memref<16384x64xf32, #tpu.memory_space<hbm>> -> memref<128x64xf32, #tpu.memory_space<hbm>>
    %dma_wait3A_469 = tpu.memref_slice %arg10[%dma_wait3A_463] : memref<8x!tpu.dma_semaphore, #tpu.memory_space<semaphore_mem>> -> memref<1x!tpu.dma_semaphore, #tpu.memory_space<semaphore_mem>>
    %dma_wait3A_470 = tpu.memref_squeeze %dma_wait3A_469 : memref<1x!tpu.dma_semaphore, #tpu.memory_space<semaphore_mem>> -> memref<!tpu.dma_semaphore, #tpu.memory_space<semaphore_mem>>
    %dma_wait3A_471 = arith.constant 0 : i32
    %dma_wait3A_472 = tpu.memref_slice %arg5[%add3A_307, %dma_wait3A_471] : memref<16384x64xf32, #tpu.memory_space<hbm>> -> memref<128x64xf32, #tpu.memory_space<hbm>>
    %dma_wait3A_473 = arith.constant 512 : i32
    %dma_wait3A_474 = arith.constant 0 : i32
    %dma_wait3A_475 = tpu.memref_slice %arg7[%dma_wait3A_473, %dma_wait3A_474] : memref<1024x64xf32, #tpu.memory_space<vmem>> -> memref<128x64xf32, #tpu.memory_space<vmem>>
    tpu.wait_dma2 semaphore(%dma_wait3A_470 : memref<!tpu.dma_semaphore, #tpu.memory_space<semaphore_mem>>) src(%dma_wait3A_475 : memref<128x64xf32, #tpu.memory_space<vmem>>) dst(%dma_wait3A_472 : memref<128x64xf32, #tpu.memory_space<hbm>>)
    %dma_wait3A_476 = arith.constant 5 : i32
    %dma_wait3A_477 = arith.constant 640 : i32
    %dma_wait3A_478 = arith.constant 0 : i32
    %dma_wait3A_479 = tpu.memref_slice %arg7[%dma_wait3A_477, %dma_wait3A_478] : memref<1024x64xf32, #tpu.memory_space<vmem>> -> memref<128x64xf32, #tpu.memory_space<vmem>>
    %dma_wait3A_480 = arith.constant 0 : i32
    %dma_wait3A_481 = tpu.memref_slice %arg5[%add3A_337, %dma_wait3A_480] : memref<16384x64xf32, #tpu.memory_space<hbm>> -> memref<128x64xf32, #tpu.memory_space<hbm>>
    %dma_wait3A_482 = tpu.memref_slice %arg10[%dma_wait3A_476] : memref<8x!tpu.dma_semaphore, #tpu.memory_space<semaphore_mem>> -> memref<1x!tpu.dma_semaphore, #tpu.memory_space<semaphore_mem>>
    %dma_wait3A_483 = tpu.memref_squeeze %dma_wait3A_482 : memref<1x!tpu.dma_semaphore, #tpu.memory_space<semaphore_mem>> -> memref<!tpu.dma_semaphore, #tpu.memory_space<semaphore_mem>>
    %dma_wait3A_484 = arith.constant 0 : i32
    %dma_wait3A_485 = tpu.memref_slice %arg5[%add3A_337, %dma_wait3A_484] : memref<16384x64xf32, #tpu.memory_space<hbm>> -> memref<128x64xf32, #tpu.memory_space<hbm>>
    %dma_wait3A_486 = arith.constant 640 : i32
    %dma_wait3A_487 = arith.constant 0 : i32
    %dma_wait3A_488 = tpu.memref_slice %arg7[%dma_wait3A_486, %dma_wait3A_487] : memref<1024x64xf32, #tpu.memory_space<vmem>> -> memref<128x64xf32, #tpu.memory_space<vmem>>
    tpu.wait_dma2 semaphore(%dma_wait3A_483 : memref<!tpu.dma_semaphore, #tpu.memory_space<semaphore_mem>>) src(%dma_wait3A_488 : memref<128x64xf32, #tpu.memory_space<vmem>>) dst(%dma_wait3A_485 : memref<128x64xf32, #tpu.memory_space<hbm>>)
    %dma_wait3A_489 = arith.constant 6 : i32
    %dma_wait3A_490 = arith.constant 768 : i32
    %dma_wait3A_491 = arith.constant 0 : i32
    %dma_wait3A_492 = tpu.memref_slice %arg7[%dma_wait3A_490, %dma_wait3A_491] : memref<1024x64xf32, #tpu.memory_space<vmem>> -> memref<128x64xf32, #tpu.memory_space<vmem>>
    %dma_wait3A_493 = arith.constant 0 : i32
    %dma_wait3A_494 = tpu.memref_slice %arg5[%add3A_367, %dma_wait3A_493] : memref<16384x64xf32, #tpu.memory_space<hbm>> -> memref<128x64xf32, #tpu.memory_space<hbm>>
    %dma_wait3A_495 = tpu.memref_slice %arg10[%dma_wait3A_489] : memref<8x!tpu.dma_semaphore, #tpu.memory_space<semaphore_mem>> -> memref<1x!tpu.dma_semaphore, #tpu.memory_space<semaphore_mem>>
    %dma_wait3A_496 = tpu.memref_squeeze %dma_wait3A_495 : memref<1x!tpu.dma_semaphore, #tpu.memory_space<semaphore_mem>> -> memref<!tpu.dma_semaphore, #tpu.memory_space<semaphore_mem>>
    %dma_wait3A_497 = arith.constant 0 : i32
    %dma_wait3A_498 = tpu.memref_slice %arg5[%add3A_367, %dma_wait3A_497] : memref<16384x64xf32, #tpu.memory_space<hbm>> -> memref<128x64xf32, #tpu.memory_space<hbm>>
    %dma_wait3A_499 = arith.constant 768 : i32
    %dma_wait3A_500 = arith.constant 0 : i32
    %dma_wait3A_501 = tpu.memref_slice %arg7[%dma_wait3A_499, %dma_wait3A_500] : memref<1024x64xf32, #tpu.memory_space<vmem>> -> memref<128x64xf32, #tpu.memory_space<vmem>>
    tpu.wait_dma2 semaphore(%dma_wait3A_496 : memref<!tpu.dma_semaphore, #tpu.memory_space<semaphore_mem>>) src(%dma_wait3A_501 : memref<128x64xf32, #tpu.memory_space<vmem>>) dst(%dma_wait3A_498 : memref<128x64xf32, #tpu.memory_space<hbm>>)
    %dma_wait3A_502 = arith.constant 7 : i32
    %dma_wait3A_503 = arith.constant 896 : i32
    %dma_wait3A_504 = arith.constant 0 : i32
    %dma_wait3A_505 = tpu.memref_slice %arg7[%dma_wait3A_503, %dma_wait3A_504] : memref<1024x64xf32, #tpu.memory_space<vmem>> -> memref<128x64xf32, #tpu.memory_space<vmem>>
    %dma_wait3A_506 = arith.constant 0 : i32
    %dma_wait3A_507 = tpu.memref_slice %arg5[%add3A_397, %dma_wait3A_506] : memref<16384x64xf32, #tpu.memory_space<hbm>> -> memref<128x64xf32, #tpu.memory_space<hbm>>
    %dma_wait3A_508 = tpu.memref_slice %arg10[%dma_wait3A_502] : memref<8x!tpu.dma_semaphore, #tpu.memory_space<semaphore_mem>> -> memref<1x!tpu.dma_semaphore, #tpu.memory_space<semaphore_mem>>
    %dma_wait3A_509 = tpu.memref_squeeze %dma_wait3A_508 : memref<1x!tpu.dma_semaphore, #tpu.memory_space<semaphore_mem>> -> memref<!tpu.dma_semaphore, #tpu.memory_space<semaphore_mem>>
    %dma_wait3A_510 = arith.constant 0 : i32
    %dma_wait3A_511 = tpu.memref_slice %arg5[%add3A_397, %dma_wait3A_510] : memref<16384x64xf32, #tpu.memory_space<hbm>> -> memref<128x64xf32, #tpu.memory_space<hbm>>
    %dma_wait3A_512 = arith.constant 896 : i32
    %dma_wait3A_513 = arith.constant 0 : i32
    %dma_wait3A_514 = tpu.memref_slice %arg7[%dma_wait3A_512, %dma_wait3A_513] : memref<1024x64xf32, #tpu.memory_space<vmem>> -> memref<128x64xf32, #tpu.memory_space<vmem>>
    tpu.wait_dma2 semaphore(%dma_wait3A_509 : memref<!tpu.dma_semaphore, #tpu.memory_space<semaphore_mem>>) src(%dma_wait3A_514 : memref<128x64xf32, #tpu.memory_space<vmem>>) dst(%dma_wait3A_511 : memref<128x64xf32, #tpu.memory_space<hbm>>)
    return
  }
}

</mosaic_0001>

<sc_bundles>
// kernel: kernel.3.cloned.1.call-start
scs
__scs_entry_jumppad:
0x0: {  	(pc) =	sbr.rel $0x88, $3  }
0x1: {  	(tag) =	ssettag $0x0;
	lr =	simm.s32 $0x1  }
0x2: {  	[smem:$0x3F9E] =	sst lr;
	_ =	strace $0xD0000000  }
0x3: {  	_ = 	snop  }
0x4: {  	_ = 	snop  }
0x5: {  	_ = 	snop  }
0x6: {  	_ = 	snop  }
0x7: {  	_ = 	snop  }
__scs_overlays_trampoline_lowered:
0x8: {  	[smem:$0x3FAD] =	sst s0  }
0x9: {  	[smem:$0x3FAE] =	sst s1  }
0xa: {  	[smem:$0x3FAF] =	sst s2  }
0xb: {  	[smem:$0x3FB0] =	sst s3  }
0xc: {  	[smem:$0x3FB1] =	sst s4  }
0xd: {  	[smem:$0x3FB2] =	sst s5  }
0xe: {  	[smem:$0x3FB3] =	sst s6  }
0xf: {  	[smem:$0x3FB4] =	sst s7  }
0x10: {  	[smem:$0x3FB5] =	sst s8  }
0x11: {  	[smem:$0x3FB6] =	sst s9;
	s0 =	simm.s32 @!p0 $0x0  }
0x12: {  	s1 =	sld [smem:$0x3F9C];
	s0 =	simm.s32 @p0 $0x1  }
0x13: {  	[smem:$0x3FB7] =	sst s0;
	s0 =	simm.s32 @!p1 $0x0  }
0x14: {  	s2 =	sld [smem:$0x3F9B];
	s0 =	simm.s32 @p1 $0x1  }
0x15: {  	[smem:$0x3FB8] =	sst s0;
	s0 =	simm.s32 @!p2 $0x0  }
0x16: {  	s3 =	sld [smem:$0x3FDB];
	s0 =	simm.s32 @p2 $0x1  }
0x17: {  	s4 =	simm.s32 $0x1BF5;
	[smem:$0x3FBA] =	sst s0  }
0x18: {  	s0 =	sld [smem:$0x3F9D];
	_ =	swait.ge [sflag:s4], $0x0  }
0x19: {  	s7 =	sld [smem:$0x3F9E]  }
0x1a: {  	s8 =	sadd.s32 $0xFFFFE003, lr  }
0x1b: {  	s9 =	sadd.s32 $0xFFFFFEF7, lr;
	s5 =	simm.s32 $0xFFFFFFFF;
	p2 =	slt.u32 s8, $0xFFFFF086  }
0x1c: {  	p1 =	slt.u32 s9, $0xF7A;
	s5 =	simm.s32 @!p2 $0x0  }
0x1d: {  	s5 =	simm.s32 @p1 $0x1;
	p0 =	seq.s32 s7, s2  }
0x1e: {  	s7 =	smul.u32 @!p0 $0xF7A, s2;
	p2 =	seq.s32 @!p0 s5, $0x0  }
0x1f: {  	s9 =	smul.u32 $0xF7A, s1;
	s8 =	simm.s32 @!p0 $0x1BF5;
	p2 =	por !p2, p0  }
0x20: {  	[sflag:s8] =	ssyncset.s32 @!p0 $0xFFFFF086;
	s6 =	sadd.s32 @!p0 s3, s7;
	s7 =	simm.s32 @!p0 $0x108  }
0x21: {  	s3 =	sadd.s32 s3, s9;
	s6 =	sadd.s32 @!p0 $0x88, s6;
	s7 =	simm.s32 @p2 $0x1082  }
0x22: {  	[simem:s7], [sflag:s8] =	dma.local @!p0 [hbm:s6], $0xF7A  }
0x23: {  	s9 =	sor.u32 $0xD0000000, s2;
	s6 =	simm.s32 $0x108;
	_ =	swait.ge @!p0 [sflag:s8], $0x0  }
0x24: {  	s3 =	sadd.s32 $0x88, s3;
	s6 =	simm.s32 @!p1 $0x1082;
	[sflag:s4] =	ssyncset.s32 $0xFFFFF086  }
0x25: {  	[simem:s6], [sflag:s4] =	dma.local [hbm:s3], $0xF7A  }
0x26: {  	[smem:$0x3F9E] =	sst s1;
	(tag) =	ssettag s2;
	_ =	strace s9  }
0x27: {  	s1 =	sld [smem:$0x3FAE]  }
0x28: {  	s2 =	sld [smem:$0x3FAF]  }
0x29: {  	s4 =	sld [smem:$0x3FB1]  }
0x2a: {  	p0 =	seq.s32 s5, $0x0;
	s5 =	sld [smem:$0x3FB2]  }
0x2b: {  	s6 =	sld [smem:$0x3FB3]  }
0x2c: {  	s7 =	sld [smem:$0x3FB4]  }
0x2d: {  	s3 =	simm.s32 $0x108;
	s8 =	sld [smem:$0x3FB5]  }
0x2e: {  	s3 =	simm.s32 @!p0 $0x1082;
	s9 =	sld [smem:$0x3FB6]  }
0x2f: {  	lr =	sadd.s32 s0, s3;
	s0 =	sld [smem:$0x3FAD]  }
0x30: {  	s3 =	sld [smem:$0x3FB0]  }
0x31: {  	[smem:$0x3FB9] =	sst s10  }
0x32: {  	s10 =	sld [smem:$0x3FB7];
	_ =	sdelay $0x3  }
0x33: {  	p0 =	seq.s32 s10, $0x1;
	s10 =	sld [smem:$0x3FB9];
	_ =	sdelay $0x3  }
0x34: {  	[smem:$0x3FB9] =	sst s10  }
0x35: {  	s10 =	sld [smem:$0x3FB8];
	_ =	sdelay $0x3  }
0x36: {  	p1 =	seq.s32 s10, $0x1;
	s10 =	sld [smem:$0x3FB9];
	_ =	sdelay $0x3  }
0x37: {  	[smem:$0x3FB9] =	sst s10  }
0x38: {  	s10 =	sld [smem:$0x3FBA]  }
0x39: {  	_ = 	snop;
	(pc) =	sbr.ind lr, $3  }
0x3a: {  	_ = 	snop  }
0x3b: {  	_ = 	snop  }
0x3c: {  	p2 =	seq.s32 s10, $0x1;
	s10 =	sld [smem:$0x3FB9]  }
0x3d: {  	_ =	shalt  }
0x3e: {  	_ =	shalt  }
0x3f: {  	_ =	shalt  }
0x40: {  	_ =	shalt  }
0x41: {  	_ =	shalt  }
0x42: {  	_ =	shalt  }
0x43: {  	_ =	shalt  }
0x44: {  	_ =	shalt  }
0x45: {  	_ =	shalt  }
0x46: {  	_ =	shalt  }
0x47: {  	_ =	shalt  }
0x48: {  	_ =	shalt  }
0x49: {  	_ =	shalt  }
0x4a: {  	_ =	shalt  }
0x4b: {  	_ =	shalt  }
0x4c: {  	_ =	shalt  }
0x4d: {  	_ =	shalt  }
0x4e: {  	_ =	shalt  }
0x4f: {  	_ =	shalt  }
0x50: {  	_ =	shalt  }
0x51: {  	_ =	shalt  }
0x52: {  	_ =	shalt  }
0x53: {  	_ =	shalt  }
0x54: {  	_ =	shalt  }
0x55: {  	_ =	shalt  }
0x56: {  	_ =	shalt  }
0x57: {  	_ =	shalt  }
0x58: {  	_ =	shalt  }
0x59: {  	_ =	shalt  }
0x5a: {  	_ =	shalt  }
0x5b: {  	_ =	shalt  }
0x5c: {  	_ =	shalt  }
0x5d: {  	_ =	shalt  }
0x5e: {  	_ =	shalt  }
0x5f: {  	_ =	shalt  }
0x60: {  	_ =	shalt  }
0x61: {  	_ =	shalt  }
0x62: {  	_ =	shalt  }
0x63: {  	_ =	shalt  }
0x64: {  	_ =	shalt  }
0x65: {  	_ =	shalt  }
0x66: {  	_ =	shalt  }
0x67: {  	_ =	shalt  }
0x68: {  	_ =	shalt  }
0x69: {  	_ =	shalt  }
0x6a: {  	_ =	shalt  }
0x6b: {  	_ =	shalt  }
0x6c: {  	_ =	shalt  }
0x6d: {  	_ =	shalt  }
0x6e: {  	_ =	shalt  }
0x6f: {  	_ =	shalt  }
0x70: {  	_ =	shalt  }
0x71: {  	_ =	shalt  }
0x72: {  	_ =	shalt  }
0x73: {  	_ =	shalt  }
0x74: {  	_ =	shalt  }
0x75: {  	_ =	shalt  }
0x76: {  	_ =	shalt  }
0x77: {  	_ =	shalt  }
0x78: {  	_ =	shalt  }
0x79: {  	_ =	shalt  }
0x7a: {  	_ =	shalt  }
0x7b: {  	_ =	shalt  }
0x7c: {  	_ =	shalt  }
0x7d: {  	_ =	shalt  }
0x7e: {  	_ =	shalt  }
0x7f: {  	_ =	shalt  }
0x80: {  	_ =	shalt  }
0x81: {  	_ =	shalt  }
0x82: {  	_ =	shalt  }
0x83: {  	_ =	shalt  }
0x84: {  	_ =	shalt  }
0x85: {  	_ =	shalt  }
0x86: {  	_ =	shalt  }
0x87: {  	_ =	shalt  }
.Lfunc_end0:
.L_simem_size_0:
called_computation_lowered:
.L_overlay_start_0:
0x88: {  	s0 =	sld [smem:$0x3FD9]  }
0x89: {  	s1 =	sld [smem:$0x3FFE];
	_ =	sdelay $0x3  }
0x8a: {  	s0 =	sadd.s32 s1, s0  }
0x8b: {  	[smem:$0x3FC5] =	sst s0  }
0x8c: {  	_ = 	snop  }
0x8d: {  	s0 =	sld [smem:$0x3FC9]  }
0x8e: {  	s16 =	sld [smem:$0x3FC7]  }
0x8f: {  	s2 =	sld [smem:$0x3FD0];
	(tm) =	ssettm $0x1  }
0x90: {  	s3 =	sld [smem:$0x3FFB];
	_ =	sdelay $0x3  }
0x91: {  	_ =	strace s3  }
0x92: {  	s3 =	sld [smem:$0x3FFC];
	_ =	sdelay $0x3  }
0x93: {  	_ =	strace s3  }
0x94: {  	s3 =	sld [smem:$0x3FFD];
	_ =	sdelay $0x3  }
0x95: {  	_ =	strace s3  }
0x96: {  	_ =	strace $0x8FFFFFFF  }
0x97: {  	s17 =	sld [smem:$0x3FDB];
	_ =	sdelay $0x1  }
0x98: {  	s4 =	simm.s32 $_scs_section_size  }
0x99: {  	s5 =	simm.s32 $_size__tile_overlayer_lowered;
	s6 =	simm.s32 $_tile_overlayer_lowered  }
0x9a: {  	s20 =	simm.s32 $0x1BFF;
	s19 =	sshll.u32 s6, $0x1;
	s3 =	sadd.s32 s4, s17  }
0x9b: {  	s7 =	simm.s32 $0x0;
	s18 =	sshll.u32 s5, $0x1;
	s5 =	sadd.s32 s19, s3  }
0x9c: {  	[timem:s7], [sflag:s20] =	dma.local [hbm:s5], s18  }
0x9d: {  	_ =	swait.ge [sflag:s20], s18  }
0x9e: {  	s4 =	ssub.s32 $0x0, s18;
	[sflag:s20] =	ssyncset.done $0x0  }
0x9f: {  	[sflag:s20] =	ssyncadd.s32 s4;
	_ =	sdelay $0x1  }
0xa0: {  	s21 =	simm.s32 $0x1B8B  }
0xa1: {  	_ =	swait.ge [sflag:s21], $0x1  }
0xa2: {  	[sflag:s21] =	ssyncset.done $0x0  }
0xa3: {  	s23 =	simm.s32 $0x1B8E;
	s22 =	sld [smem:$0x3FFE];
	[sflag:s21] =	ssyncadd.s32 $0xFFFFFFFF  }
0xa4: {  	s24 =	simm.s32 $execute0_lowered;
	[smem:$0x3FD2] =	sst s23  }
0xa5: {  	s5 =	sshll.u32 s24, $0x1;
	_ =	strace $0x80000046;
	[dreg:$0x1] =	wrdreg $0xFFFFFFFF  }
0xa6: {  	s25 =	simm.s32 $_size_execute0_lowered;
	s3 =	sadd.s32 s3, s5;
	[dreg:$0x0] =	wrdreg $0x0  }
0xa7: {  	s5 =	sshll.u32 s25, $0x1;
	[dreg:$0x2] =	wrdreg s3  }
0xa8: {  	[dreg:$0x3] =	wrdreg s5  }
0xa9: {  	[dreg:$0x4] =	wrdreg $0xC0  }
0xaa: {  	_ =	task [dreg:s7], $0x5FFFF  }
0xab: {  	[dreg:$0x1] =	wrdreg $0xFFFFFFFF  }
0xac: {  	[dreg:$0x0] =	wrdreg $0x60  }
0xad: {  	[dreg:$0x2] =	wrdreg s22  }
0xae: {  	[dreg:$0x3] =	wrdreg s16  }
0xaf: {  	[dreg:$0x4] =	wrdreg s0  }
0xb0: {  	[dreg:$0x5] =	wrdreg s2  }
0xb1: {  	[dreg:$0x6] =	wrdreg $0x9  }
0xb2: {  	_ =	task.clear_ibuf [dreg:s7], $0x7FFFF;
	_ =	strace $0x90000046  }
0xb3: {  	s26 =	simm.s32 $0x9;
	_ =	strace $0x80000048  }
0xb4: {  	_ =	swait.ge [sflag:s26], $0x1  }
0xb5: {  	[sflag:s26] =	ssyncadd.s32 $0xFFFFFFFF  }
0xb6: {  	_ =	strace $0x90000048  }
0xb7: {  	_ =	sfence  }
0xb8: {  	s28 =	sld [smem:$0x0];
	_ =	sdelay $0x1  }
0xb9: {  	s29 =	srdreg.scid  }
0xba: {  	s30 =	sshll.u32 s29, $0xD;
	s31 =	sshrl.u32 s29, $0x2  }
0xbb: {  	s1 =	sand.u32 $0x1, s29;
	s2 =	sand.u32 $0x4000, s30;
	s0 =	sadd.s32 s31, s28  }
0xbc: {  	s1 =	sor.u32 s2, s1;
	s0 =	sshll.u32 s0, $0x11  }
0xbd: {  	s0 =	sor.u32 s0, s1  }
0xbe: {  	s0 =	sadd.s32 $0x8F2B, s0  }
0xbf: {  	[sflag:s0] =	ssyncadd.remote.s32 $0x1  }
0xc0: {  	_ =	sfence.sel $0xFFFF  }
0xc1: {  	[dreg:$0x0] =	wrdreg $0xFFFFFFFF;
	(pc) =	sbr.abs _section_cstart, $3  }
0xc2: {  	[dreg:$0x1] =	wrdreg $0xFFFFFFFF  }
0xc3: {  	_ =	task.clear_ibuf [dreg:s7], $0x2FFFF;
	_ =	strace $0x9FFFFFFF  }
0xc4: {  	(tm) =	ssettm $0x7FFFFFFF  }
0xc5: {  	_ =	shalt  }
tec
execute0_lowered:
.L_overlay_start_1:
0x0: {  	(tag) =	ssettag $0x1  }
0x1: {  	s3 =	rddreg [dreg:$0x0]  }
0x2: {  	s1 =	rddreg [dreg:$0x1]  }
0x3: {  	s4 =	rddreg [dreg:$0x2]  }
0x4: {  	s2 =	rddreg [dreg:$0x3]  }
0x5: {  	s0 =	rddreg [dreg:$0x4];
	s5 =	simm.s32 $0x0  }
0x6: {  	[smem:$0x7FF] =	sst s5  }
0x7: {  	s6 =	simm.s32 $0x10400;
	s31 =	simm.s32 $0x11;
	_ =	strace $0x80000047  }
0x8: {  	[tilespmem:s6], [sflag:$0x11] =	stream.linear.gather [hbm4b:s1+s5], $0x40, $0x38;
	[tilespmem:$0x10440] =	vst v63  }
0x9: {  	s1 =	stileid.u32;
	_ =	swait.ge [sflag:s31], $0x40  }
0xa: {  	s7 =	sshll.u32 s1, $0x7;
	[sflag:s31] =	ssyncset.done $0x0  }
0xb: {  	s4 =	sadd.s32 s4, s7;
	[sflag:s31] =	ssyncadd.s32 $0xFFFFFFC0  }
0xc: {  	[tilespmem:s5], [sflag:$0x11] =	stream.linear.gather [hbm4b:s4+s5], $0x400, $0x38;
	[tilespmem:$0x10440] =	vst v63  }
0xd: {  	_ =	swait.ge [sflag:s31], $0x400  }
0xe: {  	[sflag:s31] =	ssyncset.done $0x0  }
0xf: {  	[sflag:s31] =	ssyncadd.s32 $0xFFFFFC00  }
0x10: {  	v3 =	vld [tilespmem:$0x10430]  }
0x11: {  	v2 =	vld [tilespmem:$0x10420]  }
0x12: {  	v0 =	vld [tilespmem:$0x10400]  }
0x13: {  	v1 =	vld [tilespmem:$0x10410]  }
0x14: {  	s3 =	sadd.s32 $0x400, s3;
	s5 =	simm.s32 $0x100;
	s4 =	simm.s32 $0x0  }
.LBB2_1:
0x15: {  	p0 =	sne.s32 s5, $0x7F00;
	[tilespmem:s4+$0x430] =	vst v3;
	s6 =	smov.u32 s5;
	s5 =	sadd.s32 $0x100, s5  }
.Ltmp0:
0x16: {  	[tilespmem:s4+$0x420] =	vst v2;
	(pc) =	sbr.rel @p0 .LBB2_1-.Ltmp0, $3  }
0x17: {  	[tilespmem:s4+$0x400] =	vst v0  }
0x18: {  	[tilespmem:s4+$0x410] =	vst v1;
	_ =	sdelay $0x1  }
0x19: {  	s4 =	sshra.s32 s6, $0x2  }
0x1a: {  	[tilespmem:s4+$0x430] =	vst v3  }
0x1b: {  	[tilespmem:s4+$0x420] =	vst v2  }
0x1c: {  	[tilespmem:s4+$0x400] =	vst v0  }
0x1d: {  	[tilespmem:s4+$0x410] =	vst v1;
	s31 =	simm.s32 $0x80;
	s5 =	simm.s32 $0x0;
	s6 =	simm.s32 $0x400  }
0x1e: {  	[tilespmem:s6], [sflag:$0x1] =	stream.indirect.gather.add.f32 [hbm:s3], $0x40, s5, s31, $0xb8;
	[tilespmem:$0x10440] =	vst v63  }
0x1f: {  	s4 =	simm.s32 $0x0;
	s5 =	simm.s32 $0x100  }
.LBB2_3:
0x20: {  	p0 =	sne.s32 s5, $0x7F00;
	[tilespmem:s4+$0x2430] =	vst v3;
	s6 =	smov.u32 s5;
	s5 =	sadd.s32 $0x100, s5  }
.Ltmp1:
0x21: {  	[tilespmem:s4+$0x2420] =	vst v2;
	(pc) =	sbr.rel @p0 .LBB2_3-.Ltmp1, $3  }
0x22: {  	[tilespmem:s4+$0x2400] =	vst v0  }
0x23: {  	[tilespmem:s4+$0x2410] =	vst v1;
	_ =	sdelay $0x1  }
0x24: {  	s4 =	sshra.s32 s6, $0x2  }
0x25: {  	[tilespmem:s4+$0x2430] =	vst v3  }
0x26: {  	[tilespmem:s4+$0x2420] =	vst v2  }
0x27: {  	[tilespmem:s4+$0x2400] =	vst v0  }
0x28: {  	[tilespmem:s4+$0x2410] =	vst v1;
	s31 =	simm.s32 $0x80;
	s5 =	simm.s32 $0x2400  }
0x29: {  	[tilespmem:s5], [sflag:$0x2] =	stream.indirect.gather.add.f32 [hbm:s3], $0x40, s31, s31, $0xb8;
	[tilespmem:$0x10440] =	vst v63  }
0x2a: {  	s4 =	simm.s32 $0x0;
	s5 =	simm.s32 $0x100  }
.LBB2_5:
0x2b: {  	p0 =	sne.s32 s5, $0x7F00;
	[tilespmem:s4+$0x4430] =	vst v3;
	s6 =	smov.u32 s5;
	s5 =	sadd.s32 $0x100, s5  }
.Ltmp2:
0x2c: {  	[tilespmem:s4+$0x4420] =	vst v2;
	(pc) =	sbr.rel @p0 .LBB2_5-.Ltmp2, $3  }
0x2d: {  	[tilespmem:s4+$0x4400] =	vst v0  }
0x2e: {  	[tilespmem:s4+$0x4410] =	vst v1;
	_ =	sdelay $0x1  }
0x2f: {  	s4 =	sshra.s32 s6, $0x2  }
0x30: {  	[tilespmem:s4+$0x4430] =	vst v3  }
0x31: {  	[tilespmem:s4+$0x4420] =	vst v2  }
0x32: {  	[tilespmem:s4+$0x4400] =	vst v0  }
0x33: {  	[tilespmem:s4+$0x4410] =	vst v1;
	s31 =	simm.s32 $0x80;
	s5 =	simm.s32 $0x100;
	s6 =	simm.s32 $0x4400  }
0x34: {  	[tilespmem:s6], [sflag:$0x3] =	stream.indirect.gather.add.f32 [hbm:s3], $0x40, s5, s31, $0xb8;
	[tilespmem:$0x10440] =	vst v63  }
0x35: {  	s4 =	simm.s32 $0x0;
	s5 =	simm.s32 $0x100  }
.LBB2_7:
0x36: {  	p0 =	sne.s32 s5, $0x7F00;
	[tilespmem:s4+$0x6430] =	vst v3;
	s6 =	smov.u32 s5;
	s5 =	sadd.s32 $0x100, s5  }
.Ltmp3:
0x37: {  	[tilespmem:s4+$0x6420] =	vst v2;
	(pc) =	sbr.rel @p0 .LBB2_7-.Ltmp3, $3  }
0x38: {  	[tilespmem:s4+$0x6400] =	vst v0  }
0x39: {  	[tilespmem:s4+$0x6410] =	vst v1;
	_ =	sdelay $0x1  }
0x3a: {  	s4 =	sshra.s32 s6, $0x2  }
0x3b: {  	[tilespmem:s4+$0x6430] =	vst v3  }
0x3c: {  	[tilespmem:s4+$0x6420] =	vst v2  }
0x3d: {  	[tilespmem:s4+$0x6400] =	vst v0  }
0x3e: {  	[tilespmem:s4+$0x6410] =	vst v1;
	s31 =	simm.s32 $0x80;
	s5 =	simm.s32 $0x180;
	s6 =	simm.s32 $0x6400  }
0x3f: {  	[tilespmem:s6], [sflag:$0x4] =	stream.indirect.gather.add.f32 [hbm:s3], $0x40, s5, s31, $0xb8;
	[tilespmem:$0x10440] =	vst v63  }
0x40: {  	s4 =	simm.s32 $0x0;
	s5 =	simm.s32 $0x100  }
.LBB2_9:
0x41: {  	p0 =	sne.s32 s5, $0x7F00;
	[tilespmem:s4+$0x8430] =	vst v3;
	s6 =	smov.u32 s5;
	s5 =	sadd.s32 $0x100, s5  }
.Ltmp4:
0x42: {  	[tilespmem:s4+$0x8420] =	vst v2;
	(pc) =	sbr.rel @p0 .LBB2_9-.Ltmp4, $3  }
0x43: {  	[tilespmem:s4+$0x8400] =	vst v0  }
0x44: {  	[tilespmem:s4+$0x8410] =	vst v1;
	_ =	sdelay $0x1  }
0x45: {  	s4 =	sshra.s32 s6, $0x2  }
0x46: {  	[tilespmem:s4+$0x8430] =	vst v3  }
0x47: {  	[tilespmem:s4+$0x8420] =	vst v2  }
0x48: {  	[tilespmem:s4+$0x8400] =	vst v0  }
0x49: {  	[tilespmem:s4+$0x8410] =	vst v1;
	s31 =	simm.s32 $0x80;
	s5 =	simm.s32 $0x200;
	s6 =	simm.s32 $0x8400  }
0x4a: {  	[tilespmem:s6], [sflag:$0x5] =	stream.indirect.gather.add.f32 [hbm:s3], $0x40, s5, s31, $0xb8;
	[tilespmem:$0x10440] =	vst v63  }
0x4b: {  	s4 =	simm.s32 $0x0;
	s5 =	simm.s32 $0x100  }
.LBB2_11:
0x4c: {  	p0 =	sne.s32 s5, $0x7F00;
	[tilespmem:s4+$0xA430] =	vst v3;
	s6 =	smov.u32 s5;
	s5 =	sadd.s32 $0x100, s5  }
.Ltmp5:
0x4d: {  	[tilespmem:s4+$0xA420] =	vst v2;
	(pc) =	sbr.rel @p0 .LBB2_11-.Ltmp5, $3  }
0x4e: {  	[tilespmem:s4+$0xA400] =	vst v0  }
0x4f: {  	[tilespmem:s4+$0xA410] =	vst v1;
	_ =	sdelay $0x1  }
0x50: {  	s4 =	sshra.s32 s6, $0x2  }
0x51: {  	[tilespmem:s4+$0xA430] =	vst v3  }
0x52: {  	[tilespmem:s4+$0xA420] =	vst v2  }
0x53: {  	[tilespmem:s4+$0xA400] =	vst v0  }
0x54: {  	[tilespmem:s4+$0xA410] =	vst v1;
	s31 =	simm.s32 $0x80;
	s5 =	simm.s32 $0x280;
	s6 =	simm.s32 $0xA400  }
0x55: {  	[tilespmem:s6], [sflag:$0x6] =	stream.indirect.gather.add.f32 [hbm:s3], $0x40, s5, s31, $0xb8;
	[tilespmem:$0x10440] =	vst v63  }
0x56: {  	s4 =	simm.s32 $0x0;
	s5 =	simm.s32 $0x100  }
.LBB2_13:
0x57: {  	p0 =	sne.s32 s5, $0x7F00;
	[tilespmem:s4+$0xC430] =	vst v3;
	s6 =	smov.u32 s5;
	s5 =	sadd.s32 $0x100, s5  }
.Ltmp6:
0x58: {  	[tilespmem:s4+$0xC420] =	vst v2;
	(pc) =	sbr.rel @p0 .LBB2_13-.Ltmp6, $3  }
0x59: {  	[tilespmem:s4+$0xC400] =	vst v0  }
0x5a: {  	[tilespmem:s4+$0xC410] =	vst v1;
	_ =	sdelay $0x1  }
0x5b: {  	s4 =	sshra.s32 s6, $0x2  }
0x5c: {  	[tilespmem:s4+$0xC430] =	vst v3  }
0x5d: {  	[tilespmem:s4+$0xC420] =	vst v2  }
0x5e: {  	[tilespmem:s4+$0xC400] =	vst v0  }
0x5f: {  	[tilespmem:s4+$0xC410] =	vst v1;
	s31 =	simm.s32 $0x80;
	s5 =	simm.s32 $0x300;
	s6 =	simm.s32 $0xC400  }
0x60: {  	[tilespmem:s6], [sflag:$0x7] =	stream.indirect.gather.add.f32 [hbm:s3], $0x40, s5, s31, $0xb8;
	[tilespmem:$0x10440] =	vst v63  }
0x61: {  	s4 =	simm.s32 $0x0;
	s5 =	simm.s32 $0x100  }
.LBB2_15:
0x62: {  	p0 =	sne.s32 s5, $0x7F00;
	[tilespmem:s4+$0xE430] =	vst v3;
	s6 =	smov.u32 s5;
	s5 =	sadd.s32 $0x100, s5  }
.Ltmp7:
0x63: {  	[tilespmem:s4+$0xE420] =	vst v2;
	(pc) =	sbr.rel @p0 .LBB2_15-.Ltmp7, $3  }
0x64: {  	[tilespmem:s4+$0xE400] =	vst v0  }
0x65: {  	[tilespmem:s4+$0xE410] =	vst v1;
	_ =	sdelay $0x1  }
0x66: {  	s4 =	sshra.s32 s6, $0x2  }
0x67: {  	[tilespmem:s4+$0xE430] =	vst v3  }
0x68: {  	[tilespmem:s4+$0xE420] =	vst v2  }
0x69: {  	[tilespmem:s4+$0xE400] =	vst v0;
	s23 =	simm.s32 $0x80  }
0x6a: {  	[tilespmem:s4+$0xE410] =	vst v1;
	s5 =	simm.s32 $0x380;
	s6 =	simm.s32 $0xE400;
	s24 =	simm.s32 $0x1  }
0x6b: {  	[tilespmem:s6], [sflag:$0x8] =	stream.indirect.gather.add.f32 [hbm:s3], $0x40, s5, s23, $0xb8;
	[tilespmem:$0x10440] =	vst v63  }
0x6c: {  	s25 =	sshll.u32 s1, $0xD;
	_ =	swait.ge [sflag:s24], $0x2000  }
0x6d: {  	s26 =	simm.s32 $0x0;
	s28 =	simm.s32 $0x400;
	[sflag:s24] =	ssyncset.done $0x0  }
0x6e: {  	s29 =	simm.s32 $0x2;
	s2 =	sadd.s32 s2, s25;
	[sflag:s24] =	ssyncadd.s32 $0xFFFFE000  }
0x6f: {  	[hbm4b:s2+s26] =	stream.linear.scatter [tilespmem:s28], [sflag:$0x9], $0x2000, $0x38;
	[tilespmem:$0x10440] =	vst v63  }
0x70: {  	_ =	swait.ge [sflag:s29], $0x2000  }
0x71: {  	s31 =	simm.s32 $0x2400;
	[sflag:s29] =	ssyncset.done $0x0  }
0x72: {  	s7 =	simm.s32 $0x3;
	s30 =	sadd.s32 $0x400, s2;
	[sflag:s29] =	ssyncadd.s32 $0xFFFFE000  }
0x73: {  	[hbm4b:s30+s26] =	stream.linear.scatter [tilespmem:s31], [sflag:$0xA], $0x2000, $0x38;
	[tilespmem:$0x10440] =	vst v63  }
0x74: {  	_ =	swait.ge [sflag:s7], $0x2000  }
0x75: {  	s9 =	simm.s32 $0x4400;
	[sflag:s7] =	ssyncset.done $0x0  }
0x76: {  	s10 =	simm.s32 $0x4;
	s8 =	sadd.s32 $0x800, s2;
	[sflag:s7] =	ssyncadd.s32 $0xFFFFE000  }
0x77: {  	[hbm4b:s8+s26] =	stream.linear.scatter [tilespmem:s9], [sflag:$0xB], $0x2000, $0x38;
	[tilespmem:$0x10440] =	vst v63  }
0x78: {  	_ =	swait.ge [sflag:s10], $0x2000  }
0x79: {  	s12 =	simm.s32 $0x6400;
	[sflag:s10] =	ssyncset.done $0x0  }
0x7a: {  	s13 =	simm.s32 $0x5;
	s11 =	sadd.s32 $0xC00, s2;
	[sflag:s10] =	ssyncadd.s32 $0xFFFFE000  }
0x7b: {  	[hbm4b:s11+s26] =	stream.linear.scatter [tilespmem:s12], [sflag:$0xC], $0x2000, $0x38;
	[tilespmem:$0x10440] =	vst v63  }
0x7c: {  	_ =	swait.ge [sflag:s13], $0x2000  }
0x7d: {  	s15 =	simm.s32 $0x8400;
	[sflag:s13] =	ssyncset.done $0x0  }
0x7e: {  	s16 =	simm.s32 $0x6;
	s14 =	sadd.s32 $0x1000, s2;
	[sflag:s13] =	ssyncadd.s32 $0xFFFFE000  }
0x7f: {  	[hbm4b:s14+s26] =	stream.linear.scatter [tilespmem:s15], [sflag:$0xD], $0x2000, $0x38;
	[tilespmem:$0x10440] =	vst v63  }
0x80: {  	_ =	swait.ge [sflag:s16], $0x2000  }
0x81: {  	s18 =	simm.s32 $0xA400;
	[sflag:s16] =	ssyncset.done $0x0  }
0x82: {  	s19 =	simm.s32 $0x7;
	s17 =	sadd.s32 $0x1400, s2;
	[sflag:s16] =	ssyncadd.s32 $0xFFFFE000  }
0x83: {  	[hbm4b:s17+s26] =	stream.linear.scatter [tilespmem:s18], [sflag:$0xE], $0x2000, $0x38;
	[tilespmem:$0x10440] =	vst v63  }
0x84: {  	_ =	swait.ge [sflag:s19], $0x2000  }
0x85: {  	s21 =	simm.s32 $0xC400;
	[sflag:s19] =	ssyncset.done $0x0  }
0x86: {  	s22 =	simm.s32 $0x8;
	s20 =	sadd.s32 $0x1800, s2;
	[sflag:s19] =	ssyncadd.s32 $0xFFFFE000  }
0x87: {  	[hbm4b:s20+s26] =	stream.linear.scatter [tilespmem:s21], [sflag:$0xF], $0x2000, $0x38;
	[tilespmem:$0x10440] =	vst v63  }
0x88: {  	_ =	swait.ge [sflag:s22], $0x2000  }
0x89: {  	[sflag:s22] =	ssyncset.done $0x0  }
0x8a: {  	s23 =	simm.s32 $0x9;
	s2 =	sadd.s32 $0x1C00, s2;
	[sflag:s22] =	ssyncadd.s32 $0xFFFFE000  }
0x8b: {  	[hbm4b:s2+s26] =	stream.linear.scatter [tilespmem:s6], [sflag:$0x10], $0x2000, $0x38;
	[tilespmem:$0x10440] =	vst v63  }
0x8c: {  	_ =	swait.ge [sflag:s23], $0x2000  }
0x8d: {  	[sflag:s23] =	ssyncset.done $0x0  }
0x8e: {  	s24 =	simm.s32 $0xA;
	[sflag:s23] =	ssyncadd.s32 $0xFFFFE000  }
0x8f: {  	_ =	swait.ge [sflag:s24], $0x2000  }
0x90: {  	[sflag:s24] =	ssyncset.done $0x0  }
0x91: {  	s25 =	simm.s32 $0xB;
	[sflag:s24] =	ssyncadd.s32 $0xFFFFE000  }
0x92: {  	_ =	swait.ge [sflag:s25], $0x2000  }
0x93: {  	[sflag:s25] =	ssyncset.done $0x0  }
0x94: {  	s26 =	simm.s32 $0xC;
	[sflag:s25] =	ssyncadd.s32 $0xFFFFE000  }
0x95: {  	_ =	swait.ge [sflag:s26], $0x2000  }
0x96: {  	[sflag:s26] =	ssyncset.done $0x0  }
0x97: {  	s28 =	simm.s32 $0xD;
	[sflag:s26] =	ssyncadd.s32 $0xFFFFE000  }
0x98: {  	_ =	swait.ge [sflag:s28], $0x2000  }
0x99: {  	[sflag:s28] =	ssyncset.done $0x0  }
0x9a: {  	s29 =	simm.s32 $0xE;
	[sflag:s28] =	ssyncadd.s32 $0xFFFFE000  }
0x9b: {  	_ =	swait.ge [sflag:s29], $0x2000  }
0x9c: {  	[sflag:s29] =	ssyncset.done $0x0  }
0x9d: {  	s30 =	simm.s32 $0xF;
	[sflag:s29] =	ssyncadd.s32 $0xFFFFE000  }
0x9e: {  	_ =	swait.ge [sflag:s30], $0x2000  }
0x9f: {  	[sflag:s30] =	ssyncset.done $0x0  }
0xa0: {  	s31 =	simm.s32 $0x10;
	[sflag:s30] =	ssyncadd.s32 $0xFFFFE000  }
0xa1: {  	_ =	swait.ge [sflag:s31], $0x2000  }
0xa2: {  	[sflag:s31] =	ssyncset.done $0x0  }
0xa3: {  	[sflag:s31] =	ssyncadd.s32 $0xFFFFE000  }
0xa4: {  	_ =	sfence.sel $0x180000  }
0xa5: {  	[bflag:$0x0] =	sbarrier.arrive $0xFFFF  }
0xa6: {  	p0 =	sne.s32 s1, $0x0;
	_ =	strace $0x90000047  }
0xa7: {  	s0 =	sadd.s32 @!p0 $0x100000, s0;
	[bflag:$0x2] =	sbarrier.arrive $0xFFFF  }
0xa8: {  	[sflag:s0] =	ssyncadd.tile.s32 @!p0 $0x1;
	_ =	shalt  }
.Lfunc_end2:
_tile_overlayer_lowered:
.L_overlay_start_2:
0xa9: {  	(tag) =	ssettag $0x2  }
0xaa: {  	s0 =	rddreg [dreg:$0x0];
	s2 =	stileid.u32  }
0xab: {  	s1 =	rddreg [dreg:$0x1];
	p0 =	sne.s32 s2, $0x0  }
0xac: {  	s3 =	rddreg [dreg:$0x2];
	[bflag:$0x3] =	sbarrier.arrive $0xFFFF;
	s2 =	simm.s32 @!p0 $0x1C11  }
0xad: {  	[timem:s3], [sflag:s2] =	dma.local @!p0 [hbm:s0], s1  }
0xae: {  	s0 =	simm.s32 @!p0 $0x11  }
0xaf: {  	_ =	swait.ge @!p0 [sflag:s0], s1  }
0xb0: {  	s1 =	ssub.s32 @!p0 $0x0, s1;
	[sflag:s0] =	ssyncset.done @!p0 $0x0  }
0xb1: {  	[sflag:s0] =	ssyncadd.s32 @!p0 s1  }
0xb2: {  	[bflag:$0x3] =	sbarrier.arrive $0xFFFF  }
0xb3: {  	_ =	shalt  }

</sc_bundles>
